<compile_context>
chip_gen: v7x
topology: tpu7x:2x2x1
jax: 0.10.2.dev20260603
libtpu: 0.0.44.dev20260713+nightly
codegen_flags: <defaults>
</compile_context>

<pallas_src>
import functools

import jax
import jax.numpy as jnp
from jax import lax
from jax.experimental import pallas as pl
from jax.experimental.pallas import tpu as pltpu
from jax.experimental.pallas import tpu_sc as plsc

RANGE = 15
GRANU = 16
L = RANGE * GRANU
LANES = 16

NUM_CORES = 2
NUM_SUBCORES = 16
NW = NUM_CORES * NUM_SUBCORES

CHUNK = 25088
NBUF = 2


def _sc_quant_lookup(n_elems):
    per_w = n_elems // NW
    n_chunks = per_w // CHUNK
    n_grp = n_chunks // NBUF
    assert per_w % CHUNK == 0 and n_chunks % NBUF == 0
    assert n_elems == per_w * NW

    mesh = plsc.VectorSubcoreMesh(core_axis_name="c", subcore_axis_name="s")

    @functools.partial(
        pl.kernel,
        mesh=mesh,
        compiler_params=pltpu.CompilerParams(needs_layout_passes=False),
        out_type=jax.ShapeDtypeStruct((n_elems,), jnp.float32),
        scratch_types=[
            pltpu.VMEM((RANGE, GRANU), jnp.float32),
            pltpu.VMEM((LANES,), jnp.float32),
            pltpu.VMEM((256,), jnp.float32),
            [pltpu.VMEM((CHUNK,), jnp.float32) for _ in range(NBUF)],
            [pltpu.VMEM((CHUNK,), jnp.float32) for _ in range(NBUF)],
            [pltpu.SemaphoreType.DMA for _ in range(NBUF)],
            [pltpu.SemaphoreType.DMA for _ in range(NBUF)],
        ],
    )
    def body(x_hbm, table_hbm, slog_hbm, out_hbm, rows_v, slog_v, d_v,
             inb, outb, sin, sout):
        cid = lax.axis_index("c")
        sid = lax.axis_index("s")
        wid = sid * NUM_CORES + cid
        base = wid * per_w

        pltpu.sync_copy(table_hbm, rows_v)
        pltpu.sync_copy(slog_hbm, slog_v)

        sl = slog_v[...]
        scale = jnp.exp(sl)
        kmul = jnp.float32(L) / scale
        fac = scale / jnp.float32(RANGE)

        carry = jnp.zeros((LANES,), jnp.float32)
        for r in range(RANGE):
            row = rows_v[r]
            m = jnp.max(row)
            e = jnp.exp(row - m)
            p = e / jnp.sum(e)
            cum = plsc.cumsum(p) + carry
            d_v[pl.ds(r * GRANU, GRANU)] = (cum - p) * fac
            carry = jnp.full((LANES,), jnp.max(cum), jnp.float32)
        d_v[pl.ds(L, GRANU)] = carry * fac

        def in_copy(c, b):
            off = base + c * CHUNK
            return pltpu.make_async_copy(
                x_hbm.at[pl.ds(off, CHUNK)], inb[b], sin[b])

        def out_copy(c, b):
            off = base + c * CHUNK
            return pltpu.make_async_copy(
                outb[b], out_hbm.at[pl.ds(off, CHUNK)], sout[b])

        for b in range(NBUF):
            in_copy(b, b).start()

        def grp(g, _):
            for b in range(NBUF):
                c = g * NBUF + b
                in_copy(c, b).wait()

                @pl.when(g > 0)
                def _wait_out():
                    out_copy(c - NBUF, b).wait()

                @plsc.parallel_loop(0, CHUNK, LANES, unroll=16)
                def vec_body(i):
                    v = inb[b][pl.ds(i, LANES)]
                    t = v * kmul + jnp.float32(0.5)
                    t = jnp.minimum(jnp.maximum(t, jnp.float32(0.0)),
                                    jnp.float32(L + 0.9))
                    j = t.astype(jnp.int32)
                    outb[b][pl.ds(i, LANES)] = plsc.load_gather(d_v, [j])

                out_copy(c, b).start()

                @pl.when(g < n_grp - 1)
                def _next_in():
                    in_copy(c + NBUF, b).start()
            return _

        lax.fori_loop(0, n_grp, grp, None)
        for b in range(NBUF):
            out_copy(n_chunks - NBUF + b, b).wait()

    return body


def kernel(x, table, scale_log):
    n = x.size
    s0, s1, s2, s3 = x.shape
    c_hi, c_lo = s3 // 8, 8
    ch_hi, ch_lo = s1 // 128, 128
    xt = (jnp.transpose(x, (0, 2, 3, 1))
          .reshape(s0, s2, c_hi, c_lo, ch_hi, ch_lo)
          .transpose(0, 1, 2, 4, 3, 5))
    x_flat = xt.reshape(n)
    slog = jnp.broadcast_to(scale_log.astype(jnp.float32), (LANES,))
    out = _sc_quant_lookup(n)(x_flat, table, slog)
    out = (out.reshape(s0, s2, c_hi, ch_hi, c_lo, ch_lo)
           .transpose(0, 1, 2, 4, 3, 5)
           .reshape(s0, s2, s3, s1))
    return jnp.transpose(out, (0, 3, 1, 2))

# --- scband reference (transcript-rebuilt; emitter-appended) ---
"""Pipeline reference for scband-quant-lookup-4707284156810 (READ-ONLY COPY).

The authoritative reference and input builder live on the scoring server;
editing this copy changes nothing except your own understanding.
"""

import jax, jax.numpy as jnp
import numpy as np

N_BITS = 4
GRANU = 16
RANGE = 2 ** N_BITS - 1  # is_act=True -> range = 2^n_bits - 1 = 15
L = GRANU * RANGE        # 240
TAU = 1.0                # module requires _update_tau before training forward; fixed here


def setup_inputs(seed: int = 0) -> dict:
    key = jax.random.key(seed)
    k1, k2 = jax.random.split(key)
    x = jax.random.normal(k1, (16, 256, 56, 56), dtype=jnp.float32)
    # learned params: table (range, granu); torch inits zeros, small randn keeps math nontrivial
    table = jax.random.normal(k2, (RANGE, GRANU), dtype=jnp.float32) * 0.1
    # first-call scale init: scale.data = log(x.std()*3); scale = exp(scale_param)
    scale_log = jnp.log(jnp.std(x) * 3.0)
    return {"x": x, "table": table, "scale_log": scale_log}


def _forward(x, table, scale_log):
    scale = jnp.exp(scale_log)
    # _gen_table (training path, is_act=True)
    prob = jax.nn.softmax(table / TAU, axis=1).reshape(-1)  # (L,)
    # F.conv1d(prob, T, padding=L-1) with T = step kernel (ones then zeros)
    # reduces exactly to the cumulative sum (CDF) of prob: out[j] = sum_{p<=j} prob[p]
    table_q = jnp.cumsum(prob)  # (L,)
    # is_act: F.pad left by L+1 zeros along the level axis -> length 2L+1
    table_q = jnp.concatenate([jnp.zeros((L + 1,), dtype=prob.dtype), table_q])
    table_q = table_q / RANGE

    # _lookup (training path, is_act=True)
    grid = jnp.clip(x / scale, -1.0, 1.0)
    g = jax.lax.stop_gradient(grid)
    nbins = L + 1  # table_q.numel()//2 + 1
    gmin = jnp.min(g)
    gmax = jnp.max(g)
    span = jnp.where(gmax > gmin, gmax - gmin, jnp.float32(1.0))
    bin_idx = jnp.floor((g - gmin) / span * nbins).astype(jnp.int32)
    bin_idx = jnp.clip(bin_idx, 0, nbins - 1)  # torch.histc puts max value in last bin
    hist = jnp.bincount(bin_idx.reshape(-1), length=nbins).astype(jnp.float32)
    wgt = jnp.sqrt(hist)
    wgt = jnp.concatenate([jnp.zeros((L,), dtype=wgt.dtype), wgt]) + 1e-05  # pad left by L
    numel = float(np.prod(x.shape))
    tq_d = jax.lax.stop_gradient(table_q)
    table_q = tq_d + (table_q - tq_d) / wgt * (numel / nbins)  # grad-rescaling, value unchanged

    # grid_sample(nearest, border) over a (2L+1)-long table == rounded index gather
    s = L  # table_q.shape // 2
    idx = jnp.clip(jnp.round(g * s).astype(jnp.int32) + s, 0, 2 * L)
    x_q = jnp.take(table_q, idx, axis=0)
    # straight-through: (x_q + grid - grid.data) * scale
    x_q = (x_q + grid - g) * scale
    return x_q


def reference(x, table, scale_log):
    return _forward(x, table, scale_log)

if __name__ == "__main__":
    import jax
    _d = setup_inputs()
    print(jax.jit(kernel)(*tuple(_d.values())))

</pallas_src>

<mosaic_0001>
#map = affine_map<(d0, d1) -> (0)>
#map1 = affine_map<(d0, d1) -> (0, 0)>
module attributes {stable_mosaic.version = 14 : i64} {
  func.func @body(%arg0: i32, %arg1: i32, %arg2: memref<12845056xf32, #tpu.memory_space<hbm>>, %arg3: memref<15x16xf32, #tpu.memory_space<hbm>>, %arg4: memref<16xf32, #tpu.memory_space<hbm>>, %arg5: memref<12845056xf32, #tpu.memory_space<hbm>>, %arg6: memref<15x16xf32, #tpu.memory_space<vmem>>, %arg7: memref<16xf32, #tpu.memory_space<vmem>>, %arg8: memref<256xf32, #tpu.memory_space<vmem>>, %arg9: memref<25088xf32, #tpu.memory_space<vmem>>, %arg10: memref<25088xf32, #tpu.memory_space<vmem>>, %arg11: memref<25088xf32, #tpu.memory_space<vmem>>, %arg12: memref<25088xf32, #tpu.memory_space<vmem>>, %arg13: memref<!tpu.dma_semaphore, #tpu.memory_space<semaphore_mem>>, %arg14: memref<!tpu.dma_semaphore, #tpu.memory_space<semaphore_mem>>, %arg15: memref<!tpu.dma_semaphore, #tpu.memory_space<semaphore_mem>>, %arg16: memref<!tpu.dma_semaphore, #tpu.memory_space<semaphore_mem>>) attributes {dimension_semantics = [#tpu.dimension_semantics<core_parallel>, #tpu.dimension_semantics<subcore_parallel>], iteration_bounds = array<i64: 2, 16>, scalar_prefetch = 0 : i64, scratch_operands = 11 : i64, tpu.core_type = #tpu.core_type<sc_vector_subcore>, window_params = [{transform_indices = #map}, {transform_indices = #map1}, {transform_indices = #map}, {transform_indices = #map}]} {
    %mul3A = arith.constant 2 : i32
    %mul3A_0 = arith.muli %arg1, %mul3A : i32
    %add3A = arith.addi %mul3A_0, %arg0 : i32
    %mul3A_1 = arith.constant 401408 : i32
    %mul3A_2 = arith.muli %add3A, %mul3A_1 : i32
    "tpu.region"() ({
      %run_scoped3A = tpu.sem_alloc : memref<!tpu.dma_semaphore, #tpu.memory_space<semaphore_mem>>
      tpu.enqueue_dma source(%arg3 : memref<15x16xf32, #tpu.memory_space<hbm>>) target(%arg6 : memref<15x16xf32, #tpu.memory_space<vmem>>) target_semaphore(%run_scoped3A : memref<!tpu.dma_semaphore, #tpu.memory_space<semaphore_mem>>)
      tpu.wait_dma2 semaphore(%run_scoped3A : memref<!tpu.dma_semaphore, #tpu.memory_space<semaphore_mem>>) src(%arg3 : memref<15x16xf32, #tpu.memory_space<hbm>>) dst(%arg6 : memref<15x16xf32, #tpu.memory_space<vmem>>)
      tpu.yield
    }) : () -> ()
    "tpu.region"() ({
      %run_scoped3A = tpu.sem_alloc : memref<!tpu.dma_semaphore, #tpu.memory_space<semaphore_mem>>
      tpu.enqueue_dma source(%arg4 : memref<16xf32, #tpu.memory_space<hbm>>) target(%arg7 : memref<16xf32, #tpu.memory_space<vmem>>) target_semaphore(%run_scoped3A : memref<!tpu.dma_semaphore, #tpu.memory_space<semaphore_mem>>)
      tpu.wait_dma2 semaphore(%run_scoped3A : memref<!tpu.dma_semaphore, #tpu.memory_space<semaphore_mem>>) src(%arg4 : memref<16xf32, #tpu.memory_space<hbm>>) dst(%arg7 : memref<16xf32, #tpu.memory_space<vmem>>)
      tpu.yield
    }) : () -> ()
    %get3A = arith.constant 0 : index
    %get3A_3 = tpu.vector_load %arg7[%get3A] {strides = array<i32>} : memref<16xf32, #tpu.memory_space<vmem>>, vector<16xf32>,
    %exp3A = math.exp %get3A_3 : vector<16xf32>
    %div3A = arith.constant 2.400000e+02 : f32
    %div3A_4 = vector.broadcast %div3A : f32 to vector<16xf32>
    %div3A_5 = arith.divf %div3A_4, %exp3A : vector<16xf32>
    %div3A_6 = arith.constant 1.500000e+01 : f32
    %div3A_7 = vector.broadcast %div3A_6 : f32 to vector<16xf32>
    %div3A_8 = arith.divf %exp3A, %div3A_7 : vector<16xf32>
    %broadcast_in_dim3A = arith.constant 0.000000e+00 : f32
    %broadcast_in_dim3A_9 = vector.broadcast %broadcast_in_dim3A : f32 to vector<16xf32>
    %get3A_10 = arith.constant 0 : i32
    %get3A_11 = arith.index_cast %get3A_10 : i32 to index
    %get3A_12 = arith.constant 0 : index
    %get3A_13 = tpu.vector_load %arg6[%get3A_11, %get3A_12] {strides = array<i32>} : memref<15x16xf32, #tpu.memory_space<vmem>>, vector<16xf32>,
    %reduce_max3A = arith.constant true
    %reduce_max3A_14 = vector.broadcast %reduce_max3A : i1 to vector<16xi1>
    %reduce_max3A_15 = tpu.scan <max>, %get3A_13 masked %reduce_max3A_14 : vector<16xf32>, vector<16xi1> -> vector<16xf32>
    %reduce_max3A_16 = vector.extract %reduce_max3A_15[15] : f32 from vector<16xf32>
    %sub3A = vector.broadcast %reduce_max3A_16 : f32 to vector<16xf32>
    %sub3A_17 = arith.subf %get3A_13, %sub3A : vector<16xf32>
    %exp3A_18 = math.exp %sub3A_17 : vector<16xf32>
    %reduce_sum3A = arith.constant true
    %reduce_sum3A_19 = vector.broadcast %reduce_sum3A : i1 to vector<16xi1>
    %reduce_sum3A_20 = tpu.scan <sum>, %exp3A_18 masked %reduce_sum3A_19 : vector<16xf32>, vector<16xi1> -> vector<16xf32>
    %reduce_sum3A_21 = vector.extract %reduce_sum3A_20[15] : f32 from vector<16xf32>
    %div3A_22 = vector.broadcast %reduce_sum3A_21 : f32 to vector<16xf32>
    %div3A_23 = arith.divf %exp3A_18, %div3A_22 : vector<16xf32>
    %broadcast_in_dim3A_24 = arith.constant true
    %broadcast_in_dim3A_25 = vector.broadcast %broadcast_in_dim3A_24 : i1 to vector<16xi1>
    %masked_cumsum3A = tpu.scan <sum>, %div3A_23 masked %broadcast_in_dim3A_25 : vector<16xf32>, vector<16xi1> -> vector<16xf32>
    %add3A_26 = arith.addf %masked_cumsum3A, %broadcast_in_dim3A_9 : vector<16xf32>
    %sub3A_27 = arith.subf %add3A_26, %div3A_23 : vector<16xf32>
    %mul3A_28 = arith.mulf %sub3A_27, %div3A_8 : vector<16xf32>
    %swap3A = arith.constant 0 : index
    %swap3A_29 = tpu.vector_load %arg8[%swap3A] {strides = array<i32>} : memref<256xf32, #tpu.memory_space<vmem>>, vector<16xf32>,
    tpu.vector_store %arg8[%swap3A], %mul3A_28 {strides = array<i32>} : memref<256xf32, #tpu.memory_space<vmem>>, vector<16xf32>,
    %reduce_max3A_30 = arith.constant true
    %reduce_max3A_31 = vector.broadcast %reduce_max3A_30 : i1 to vector<16xi1>
    %reduce_max3A_32 = tpu.scan <max>, %add3A_26 masked %reduce_max3A_31 : vector<16xf32>, vector<16xi1> -> vector<16xf32>
    %reduce_max3A_33 = vector.extract %reduce_max3A_32[15] : f32 from vector<16xf32>
    %broadcast_in_dim3A_34 = vector.broadcast %reduce_max3A_33 : f32 to vector<16xf32>
    %get3A_35 = arith.constant 1 : i32
    %get3A_36 = arith.index_cast %get3A_35 : i32 to index
    %get3A_37 = arith.constant 0 : index
    %get3A_38 = tpu.vector_load %arg6[%get3A_36, %get3A_37] {strides = array<i32>} : memref<15x16xf32, #tpu.memory_space<vmem>>, vector<16xf32>,
    %reduce_max3A_39 = arith.constant true
    %reduce_max3A_40 = vector.broadcast %reduce_max3A_39 : i1 to vector<16xi1>
    %reduce_max3A_41 = tpu.scan <max>, %get3A_38 masked %reduce_max3A_40 : vector<16xf32>, vector<16xi1> -> vector<16xf32>
    %reduce_max3A_42 = vector.extract %reduce_max3A_41[15] : f32 from vector<16xf32>
    %sub3A_43 = vector.broadcast %reduce_max3A_42 : f32 to vector<16xf32>
    %sub3A_44 = arith.subf %get3A_38, %sub3A_43 : vector<16xf32>
    %exp3A_45 = math.exp %sub3A_44 : vector<16xf32>
    %reduce_sum3A_46 = arith.constant true
    %reduce_sum3A_47 = vector.broadcast %reduce_sum3A_46 : i1 to vector<16xi1>
    %reduce_sum3A_48 = tpu.scan <sum>, %exp3A_45 masked %reduce_sum3A_47 : vector<16xf32>, vector<16xi1> -> vector<16xf32>
    %reduce_sum3A_49 = vector.extract %reduce_sum3A_48[15] : f32 from vector<16xf32>
    %div3A_50 = vector.broadcast %reduce_sum3A_49 : f32 to vector<16xf32>
    %div3A_51 = arith.divf %exp3A_45, %div3A_50 : vector<16xf32>
    %broadcast_in_dim3A_52 = arith.constant true
    %broadcast_in_dim3A_53 = vector.broadcast %broadcast_in_dim3A_52 : i1 to vector<16xi1>
    %masked_cumsum3A_54 = tpu.scan <sum>, %div3A_51 masked %broadcast_in_dim3A_53 : vector<16xf32>, vector<16xi1> -> vector<16xf32>
    %add3A_55 = arith.addf %masked_cumsum3A_54, %broadcast_in_dim3A_34 : vector<16xf32>
    %sub3A_56 = arith.subf %add3A_55, %div3A_51 : vector<16xf32>
    %mul3A_57 = arith.mulf %sub3A_56, %div3A_8 : vector<16xf32>
    %swap3A_58 = arith.constant 16 : index
    %swap3A_59 = tpu.vector_load %arg8[%swap3A_58] {strides = array<i32>} : memref<256xf32, #tpu.memory_space<vmem>>, vector<16xf32>,
    tpu.vector_store %arg8[%swap3A_58], %mul3A_57 {strides = array<i32>} : memref<256xf32, #tpu.memory_space<vmem>>, vector<16xf32>,
    %reduce_max3A_60 = arith.constant true
    %reduce_max3A_61 = vector.broadcast %reduce_max3A_60 : i1 to vector<16xi1>
    %reduce_max3A_62 = tpu.scan <max>, %add3A_55 masked %reduce_max3A_61 : vector<16xf32>, vector<16xi1> -> vector<16xf32>
    %reduce_max3A_63 = vector.extract %reduce_max3A_62[15] : f32 from vector<16xf32>
    %broadcast_in_dim3A_64 = vector.broadcast %reduce_max3A_63 : f32 to vector<16xf32>
    %get3A_65 = arith.constant 2 : i32
    %get3A_66 = arith.index_cast %get3A_65 : i32 to index
    %get3A_67 = arith.constant 0 : index
    %get3A_68 = tpu.vector_load %arg6[%get3A_66, %get3A_67] {strides = array<i32>} : memref<15x16xf32, #tpu.memory_space<vmem>>, vector<16xf32>,
    %reduce_max3A_69 = arith.constant true
    %reduce_max3A_70 = vector.broadcast %reduce_max3A_69 : i1 to vector<16xi1>
    %reduce_max3A_71 = tpu.scan <max>, %get3A_68 masked %reduce_max3A_70 : vector<16xf32>, vector<16xi1> -> vector<16xf32>
    %reduce_max3A_72 = vector.extract %reduce_max3A_71[15] : f32 from vector<16xf32>
    %sub3A_73 = vector.broadcast %reduce_max3A_72 : f32 to vector<16xf32>
    %sub3A_74 = arith.subf %get3A_68, %sub3A_73 : vector<16xf32>
    %exp3A_75 = math.exp %sub3A_74 : vector<16xf32>
    %reduce_sum3A_76 = arith.constant true
    %reduce_sum3A_77 = vector.broadcast %reduce_sum3A_76 : i1 to vector<16xi1>
    %reduce_sum3A_78 = tpu.scan <sum>, %exp3A_75 masked %reduce_sum3A_77 : vector<16xf32>, vector<16xi1> -> vector<16xf32>
    %reduce_sum3A_79 = vector.extract %reduce_sum3A_78[15] : f32 from vector<16xf32>
    %div3A_80 = vector.broadcast %reduce_sum3A_79 : f32 to vector<16xf32>
    %div3A_81 = arith.divf %exp3A_75, %div3A_80 : vector<16xf32>
    %broadcast_in_dim3A_82 = arith.constant true
    %broadcast_in_dim3A_83 = vector.broadcast %broadcast_in_dim3A_82 : i1 to vector<16xi1>
    %masked_cumsum3A_84 = tpu.scan <sum>, %div3A_81 masked %broadcast_in_dim3A_83 : vector<16xf32>, vector<16xi1> -> vector<16xf32>
    %add3A_85 = arith.addf %masked_cumsum3A_84, %broadcast_in_dim3A_64 : vector<16xf32>
    %sub3A_86 = arith.subf %add3A_85, %div3A_81 : vector<16xf32>
    %mul3A_87 = arith.mulf %sub3A_86, %div3A_8 : vector<16xf32>
    %swap3A_88 = arith.constant 32 : index
    %swap3A_89 = tpu.vector_load %arg8[%swap3A_88] {strides = array<i32>} : memref<256xf32, #tpu.memory_space<vmem>>, vector<16xf32>,
    tpu.vector_store %arg8[%swap3A_88], %mul3A_87 {strides = array<i32>} : memref<256xf32, #tpu.memory_space<vmem>>, vector<16xf32>,
    %reduce_max3A_90 = arith.constant true
    %reduce_max3A_91 = vector.broadcast %reduce_max3A_90 : i1 to vector<16xi1>
    %reduce_max3A_92 = tpu.scan <max>, %add3A_85 masked %reduce_max3A_91 : vector<16xf32>, vector<16xi1> -> vector<16xf32>
    %reduce_max3A_93 = vector.extract %reduce_max3A_92[15] : f32 from vector<16xf32>
    %broadcast_in_dim3A_94 = vector.broadcast %reduce_max3A_93 : f32 to vector<16xf32>
    %get3A_95 = arith.constant 3 : i32
    %get3A_96 = arith.index_cast %get3A_95 : i32 to index
    %get3A_97 = arith.constant 0 : index
    %get3A_98 = tpu.vector_load %arg6[%get3A_96, %get3A_97] {strides = array<i32>} : memref<15x16xf32, #tpu.memory_space<vmem>>, vector<16xf32>,
    %reduce_max3A_99 = arith.constant true
    %reduce_max3A_100 = vector.broadcast %reduce_max3A_99 : i1 to vector<16xi1>
    %reduce_max3A_101 = tpu.scan <max>, %get3A_98 masked %reduce_max3A_100 : vector<16xf32>, vector<16xi1> -> vector<16xf32>
    %reduce_max3A_102 = vector.extract %reduce_max3A_101[15] : f32 from vector<16xf32>
    %sub3A_103 = vector.broadcast %reduce_max3A_102 : f32 to vector<16xf32>
    %sub3A_104 = arith.subf %get3A_98, %sub3A_103 : vector<16xf32>
    %exp3A_105 = math.exp %sub3A_104 : vector<16xf32>
    %reduce_sum3A_106 = arith.constant true
    %reduce_sum3A_107 = vector.broadcast %reduce_sum3A_106 : i1 to vector<16xi1>
    %reduce_sum3A_108 = tpu.scan <sum>, %exp3A_105 masked %reduce_sum3A_107 : vector<16xf32>, vector<16xi1> -> vector<16xf32>
    %reduce_sum3A_109 = vector.extract %reduce_sum3A_108[15] : f32 from vector<16xf32>
    %div3A_110 = vector.broadcast %reduce_sum3A_109 : f32 to vector<16xf32>
    %div3A_111 = arith.divf %exp3A_105, %div3A_110 : vector<16xf32>
    %broadcast_in_dim3A_112 = arith.constant true
    %broadcast_in_dim3A_113 = vector.broadcast %broadcast_in_dim3A_112 : i1 to vector<16xi1>
    %masked_cumsum3A_114 = tpu.scan <sum>, %div3A_111 masked %broadcast_in_dim3A_113 : vector<16xf32>, vector<16xi1> -> vector<16xf32>
    %add3A_115 = arith.addf %masked_cumsum3A_114, %broadcast_in_dim3A_94 : vector<16xf32>
    %sub3A_116 = arith.subf %add3A_115, %div3A_111 : vector<16xf32>
    %mul3A_117 = arith.mulf %sub3A_116, %div3A_8 : vector<16xf32>
    %swap3A_118 = arith.constant 48 : index
    %swap3A_119 = tpu.vector_load %arg8[%swap3A_118] {strides = array<i32>} : memref<256xf32, #tpu.memory_space<vmem>>, vector<16xf32>,
    tpu.vector_store %arg8[%swap3A_118], %mul3A_117 {strides = array<i32>} : memref<256xf32, #tpu.memory_space<vmem>>, vector<16xf32>,
    %reduce_max3A_120 = arith.constant true
    %reduce_max3A_121 = vector.broadcast %reduce_max3A_120 : i1 to vector<16xi1>
    %reduce_max3A_122 = tpu.scan <max>, %add3A_115 masked %reduce_max3A_121 : vector<16xf32>, vector<16xi1> -> vector<16xf32>
    %reduce_max3A_123 = vector.extract %reduce_max3A_122[15] : f32 from vector<16xf32>
    %broadcast_in_dim3A_124 = vector.broadcast %reduce_max3A_123 : f32 to vector<16xf32>
    %get3A_125 = arith.constant 4 : i32
    %get3A_126 = arith.index_cast %get3A_125 : i32 to index
    %get3A_127 = arith.constant 0 : index
    %get3A_128 = tpu.vector_load %arg6[%get3A_126, %get3A_127] {strides = array<i32>} : memref<15x16xf32, #tpu.memory_space<vmem>>, vector<16xf32>,
    %reduce_max3A_129 = arith.constant true
    %reduce_max3A_130 = vector.broadcast %reduce_max3A_129 : i1 to vector<16xi1>
    %reduce_max3A_131 = tpu.scan <max>, %get3A_128 masked %reduce_max3A_130 : vector<16xf32>, vector<16xi1> -> vector<16xf32>
    %reduce_max3A_132 = vector.extract %reduce_max3A_131[15] : f32 from vector<16xf32>
    %sub3A_133 = vector.broadcast %reduce_max3A_132 : f32 to vector<16xf32>
    %sub3A_134 = arith.subf %get3A_128, %sub3A_133 : vector<16xf32>
    %exp3A_135 = math.exp %sub3A_134 : vector<16xf32>
    %reduce_sum3A_136 = arith.constant true
    %reduce_sum3A_137 = vector.broadcast %reduce_sum3A_136 : i1 to vector<16xi1>
    %reduce_sum3A_138 = tpu.scan <sum>, %exp3A_135 masked %reduce_sum3A_137 : vector<16xf32>, vector<16xi1> -> vector<16xf32>
    %reduce_sum3A_139 = vector.extract %reduce_sum3A_138[15] : f32 from vector<16xf32>
    %div3A_140 = vector.broadcast %reduce_sum3A_139 : f32 to vector<16xf32>
    %div3A_141 = arith.divf %exp3A_135, %div3A_140 : vector<16xf32>
    %broadcast_in_dim3A_142 = arith.constant true
    %broadcast_in_dim3A_143 = vector.broadcast %broadcast_in_dim3A_142 : i1 to vector<16xi1>
    %masked_cumsum3A_144 = tpu.scan <sum>, %div3A_141 masked %broadcast_in_dim3A_143 : vector<16xf32>, vector<16xi1> -> vector<16xf32>
    %add3A_145 = arith.addf %masked_cumsum3A_144, %broadcast_in_dim3A_124 : vector<16xf32>
    %sub3A_146 = arith.subf %add3A_145, %div3A_141 : vector<16xf32>
    %mul3A_147 = arith.mulf %sub3A_146, %div3A_8 : vector<16xf32>
    %swap3A_148 = arith.constant 64 : index
    %swap3A_149 = tpu.vector_load %arg8[%swap3A_148] {strides = array<i32>} : memref<256xf32, #tpu.memory_space<vmem>>, vector<16xf32>,
    tpu.vector_store %arg8[%swap3A_148], %mul3A_147 {strides = array<i32>} : memref<256xf32, #tpu.memory_space<vmem>>, vector<16xf32>,
    %reduce_max3A_150 = arith.constant true
    %reduce_max3A_151 = vector.broadcast %reduce_max3A_150 : i1 to vector<16xi1>
    %reduce_max3A_152 = tpu.scan <max>, %add3A_145 masked %reduce_max3A_151 : vector<16xf32>, vector<16xi1> -> vector<16xf32>
    %reduce_max3A_153 = vector.extract %reduce_max3A_152[15] : f32 from vector<16xf32>
    %broadcast_in_dim3A_154 = vector.broadcast %reduce_max3A_153 : f32 to vector<16xf32>
    %get3A_155 = arith.constant 5 : i32
    %get3A_156 = arith.index_cast %get3A_155 : i32 to index
    %get3A_157 = arith.constant 0 : index
    %get3A_158 = tpu.vector_load %arg6[%get3A_156, %get3A_157] {strides = array<i32>} : memref<15x16xf32, #tpu.memory_space<vmem>>, vector<16xf32>,
    %reduce_max3A_159 = arith.constant true
    %reduce_max3A_160 = vector.broadcast %reduce_max3A_159 : i1 to vector<16xi1>
    %reduce_max3A_161 = tpu.scan <max>, %get3A_158 masked %reduce_max3A_160 : vector<16xf32>, vector<16xi1> -> vector<16xf32>
    %reduce_max3A_162 = vector.extract %reduce_max3A_161[15] : f32 from vector<16xf32>
    %sub3A_163 = vector.broadcast %reduce_max3A_162 : f32 to vector<16xf32>
    %sub3A_164 = arith.subf %get3A_158, %sub3A_163 : vector<16xf32>
    %exp3A_165 = math.exp %sub3A_164 : vector<16xf32>
    %reduce_sum3A_166 = arith.constant true
    %reduce_sum3A_167 = vector.broadcast %reduce_sum3A_166 : i1 to vector<16xi1>
    %reduce_sum3A_168 = tpu.scan <sum>, %exp3A_165 masked %reduce_sum3A_167 : vector<16xf32>, vector<16xi1> -> vector<16xf32>
    %reduce_sum3A_169 = vector.extract %reduce_sum3A_168[15] : f32 from vector<16xf32>
    %div3A_170 = vector.broadcast %reduce_sum3A_169 : f32 to vector<16xf32>
    %div3A_171 = arith.divf %exp3A_165, %div3A_170 : vector<16xf32>
    %broadcast_in_dim3A_172 = arith.constant true
    %broadcast_in_dim3A_173 = vector.broadcast %broadcast_in_dim3A_172 : i1 to vector<16xi1>
    %masked_cumsum3A_174 = tpu.scan <sum>, %div3A_171 masked %broadcast_in_dim3A_173 : vector<16xf32>, vector<16xi1> -> vector<16xf32>
    %add3A_175 = arith.addf %masked_cumsum3A_174, %broadcast_in_dim3A_154 : vector<16xf32>
    %sub3A_176 = arith.subf %add3A_175, %div3A_171 : vector<16xf32>
    %mul3A_177 = arith.mulf %sub3A_176, %div3A_8 : vector<16xf32>
    %swap3A_178 = arith.constant 80 : index
    %swap3A_179 = tpu.vector_load %arg8[%swap3A_178] {strides = array<i32>} : memref<256xf32, #tpu.memory_space<vmem>>, vector<16xf32>,
    tpu.vector_store %arg8[%swap3A_178], %mul3A_177 {strides = array<i32>} : memref<256xf32, #tpu.memory_space<vmem>>, vector<16xf32>,
    %reduce_max3A_180 = arith.constant true
    %reduce_max3A_181 = vector.broadcast %reduce_max3A_180 : i1 to vector<16xi1>
    %reduce_max3A_182 = tpu.scan <max>, %add3A_175 masked %reduce_max3A_181 : vector<16xf32>, vector<16xi1> -> vector<16xf32>
    %reduce_max3A_183 = vector.extract %reduce_max3A_182[15] : f32 from vector<16xf32>
    %broadcast_in_dim3A_184 = vector.broadcast %reduce_max3A_183 : f32 to vector<16xf32>
    %get3A_185 = arith.constant 6 : i32
    %get3A_186 = arith.index_cast %get3A_185 : i32 to index
    %get3A_187 = arith.constant 0 : index
    %get3A_188 = tpu.vector_load %arg6[%get3A_186, %get3A_187] {strides = array<i32>} : memref<15x16xf32, #tpu.memory_space<vmem>>, vector<16xf32>,
    %reduce_max3A_189 = arith.constant true
    %reduce_max3A_190 = vector.broadcast %reduce_max3A_189 : i1 to vector<16xi1>
    %reduce_max3A_191 = tpu.scan <max>, %get3A_188 masked %reduce_max3A_190 : vector<16xf32>, vector<16xi1> -> vector<16xf32>
    %reduce_max3A_192 = vector.extract %reduce_max3A_191[15] : f32 from vector<16xf32>
    %sub3A_193 = vector.broadcast %reduce_max3A_192 : f32 to vector<16xf32>
    %sub3A_194 = arith.subf %get3A_188, %sub3A_193 : vector<16xf32>
    %exp3A_195 = math.exp %sub3A_194 : vector<16xf32>
    %reduce_sum3A_196 = arith.constant true
    %reduce_sum3A_197 = vector.broadcast %reduce_sum3A_196 : i1 to vector<16xi1>
    %reduce_sum3A_198 = tpu.scan <sum>, %exp3A_195 masked %reduce_sum3A_197 : vector<16xf32>, vector<16xi1> -> vector<16xf32>
    %reduce_sum3A_199 = vector.extract %reduce_sum3A_198[15] : f32 from vector<16xf32>
    %div3A_200 = vector.broadcast %reduce_sum3A_199 : f32 to vector<16xf32>
    %div3A_201 = arith.divf %exp3A_195, %div3A_200 : vector<16xf32>
    %broadcast_in_dim3A_202 = arith.constant true
    %broadcast_in_dim3A_203 = vector.broadcast %broadcast_in_dim3A_202 : i1 to vector<16xi1>
    %masked_cumsum3A_204 = tpu.scan <sum>, %div3A_201 masked %broadcast_in_dim3A_203 : vector<16xf32>, vector<16xi1> -> vector<16xf32>
    %add3A_205 = arith.addf %masked_cumsum3A_204, %broadcast_in_dim3A_184 : vector<16xf32>
    %sub3A_206 = arith.subf %add3A_205, %div3A_201 : vector<16xf32>
    %mul3A_207 = arith.mulf %sub3A_206, %div3A_8 : vector<16xf32>
    %swap3A_208 = arith.constant 96 : index
    %swap3A_209 = tpu.vector_load %arg8[%swap3A_208] {strides = array<i32>} : memref<256xf32, #tpu.memory_space<vmem>>, vector<16xf32>,
    tpu.vector_store %arg8[%swap3A_208], %mul3A_207 {strides = array<i32>} : memref<256xf32, #tpu.memory_space<vmem>>, vector<16xf32>,
    %reduce_max3A_210 = arith.constant true
    %reduce_max3A_211 = vector.broadcast %reduce_max3A_210 : i1 to vector<16xi1>
    %reduce_max3A_212 = tpu.scan <max>, %add3A_205 masked %reduce_max3A_211 : vector<16xf32>, vector<16xi1> -> vector<16xf32>
    %reduce_max3A_213 = vector.extract %reduce_max3A_212[15] : f32 from vector<16xf32>
    %broadcast_in_dim3A_214 = vector.broadcast %reduce_max3A_213 : f32 to vector<16xf32>
    %get3A_215 = arith.constant 7 : i32
    %get3A_216 = arith.index_cast %get3A_215 : i32 to index
    %get3A_217 = arith.constant 0 : index
    %get3A_218 = tpu.vector_load %arg6[%get3A_216, %get3A_217] {strides = array<i32>} : memref<15x16xf32, #tpu.memory_space<vmem>>, vector<16xf32>,
    %reduce_max3A_219 = arith.constant true
    %reduce_max3A_220 = vector.broadcast %reduce_max3A_219 : i1 to vector<16xi1>
    %reduce_max3A_221 = tpu.scan <max>, %get3A_218 masked %reduce_max3A_220 : vector<16xf32>, vector<16xi1> -> vector<16xf32>
    %reduce_max3A_222 = vector.extract %reduce_max3A_221[15] : f32 from vector<16xf32>
    %sub3A_223 = vector.broadcast %reduce_max3A_222 : f32 to vector<16xf32>
    %sub3A_224 = arith.subf %get3A_218, %sub3A_223 : vector<16xf32>
    %exp3A_225 = math.exp %sub3A_224 : vector<16xf32>
    %reduce_sum3A_226 = arith.constant true
    %reduce_sum3A_227 = vector.broadcast %reduce_sum3A_226 : i1 to vector<16xi1>
    %reduce_sum3A_228 = tpu.scan <sum>, %exp3A_225 masked %reduce_sum3A_227 : vector<16xf32>, vector<16xi1> -> vector<16xf32>
    %reduce_sum3A_229 = vector.extract %reduce_sum3A_228[15] : f32 from vector<16xf32>
    %div3A_230 = vector.broadcast %reduce_sum3A_229 : f32 to vector<16xf32>
    %div3A_231 = arith.divf %exp3A_225, %div3A_230 : vector<16xf32>
    %broadcast_in_dim3A_232 = arith.constant true
    %broadcast_in_dim3A_233 = vector.broadcast %broadcast_in_dim3A_232 : i1 to vector<16xi1>
    %masked_cumsum3A_234 = tpu.scan <sum>, %div3A_231 masked %broadcast_in_dim3A_233 : vector<16xf32>, vector<16xi1> -> vector<16xf32>
    %add3A_235 = arith.addf %masked_cumsum3A_234, %broadcast_in_dim3A_214 : vector<16xf32>
    %sub3A_236 = arith.subf %add3A_235, %div3A_231 : vector<16xf32>
    %mul3A_237 = arith.mulf %sub3A_236, %div3A_8 : vector<16xf32>
    %swap3A_238 = arith.constant 112 : index
    %swap3A_239 = tpu.vector_load %arg8[%swap3A_238] {strides = array<i32>} : memref<256xf32, #tpu.memory_space<vmem>>, vector<16xf32>,
    tpu.vector_store %arg8[%swap3A_238], %mul3A_237 {strides = array<i32>} : memref<256xf32, #tpu.memory_space<vmem>>, vector<16xf32>,
    %reduce_max3A_240 = arith.constant true
    %reduce_max3A_241 = vector.broadcast %reduce_max3A_240 : i1 to vector<16xi1>
    %reduce_max3A_242 = tpu.scan <max>, %add3A_235 masked %reduce_max3A_241 : vector<16xf32>, vector<16xi1> -> vector<16xf32>
    %reduce_max3A_243 = vector.extract %reduce_max3A_242[15] : f32 from vector<16xf32>
    %broadcast_in_dim3A_244 = vector.broadcast %reduce_max3A_243 : f32 to vector<16xf32>
    %get3A_245 = arith.constant 8 : i32
    %get3A_246 = arith.index_cast %get3A_245 : i32 to index
    %get3A_247 = arith.constant 0 : index
    %get3A_248 = tpu.vector_load %arg6[%get3A_246, %get3A_247] {strides = array<i32>} : memref<15x16xf32, #tpu.memory_space<vmem>>, vector<16xf32>,
    %reduce_max3A_249 = arith.constant true
    %reduce_max3A_250 = vector.broadcast %reduce_max3A_249 : i1 to vector<16xi1>
    %reduce_max3A_251 = tpu.scan <max>, %get3A_248 masked %reduce_max3A_250 : vector<16xf32>, vector<16xi1> -> vector<16xf32>
    %reduce_max3A_252 = vector.extract %reduce_max3A_251[15] : f32 from vector<16xf32>
    %sub3A_253 = vector.broadcast %reduce_max3A_252 : f32 to vector<16xf32>
    %sub3A_254 = arith.subf %get3A_248, %sub3A_253 : vector<16xf32>
    %exp3A_255 = math.exp %sub3A_254 : vector<16xf32>
    %reduce_sum3A_256 = arith.constant true
    %reduce_sum3A_257 = vector.broadcast %reduce_sum3A_256 : i1 to vector<16xi1>
    %reduce_sum3A_258 = tpu.scan <sum>, %exp3A_255 masked %reduce_sum3A_257 : vector<16xf32>, vector<16xi1> -> vector<16xf32>
    %reduce_sum3A_259 = vector.extract %reduce_sum3A_258[15] : f32 from vector<16xf32>
    %div3A_260 = vector.broadcast %reduce_sum3A_259 : f32 to vector<16xf32>
    %div3A_261 = arith.divf %exp3A_255, %div3A_260 : vector<16xf32>
    %broadcast_in_dim3A_262 = arith.constant true
    %broadcast_in_dim3A_263 = vector.broadcast %broadcast_in_dim3A_262 : i1 to vector<16xi1>
    %masked_cumsum3A_264 = tpu.scan <sum>, %div3A_261 masked %broadcast_in_dim3A_263 : vector<16xf32>, vector<16xi1> -> vector<16xf32>
    %add3A_265 = arith.addf %masked_cumsum3A_264, %broadcast_in_dim3A_244 : vector<16xf32>
    %sub3A_266 = arith.subf %add3A_265, %div3A_261 : vector<16xf32>
    %mul3A_267 = arith.mulf %sub3A_266, %div3A_8 : vector<16xf32>
    %swap3A_268 = arith.constant 128 : index
    %swap3A_269 = tpu.vector_load %arg8[%swap3A_268] {strides = array<i32>} : memref<256xf32, #tpu.memory_space<vmem>>, vector<16xf32>,
    tpu.vector_store %arg8[%swap3A_268], %mul3A_267 {strides = array<i32>} : memref<256xf32, #tpu.memory_space<vmem>>, vector<16xf32>,
    %reduce_max3A_270 = arith.constant true
    %reduce_max3A_271 = vector.broadcast %reduce_max3A_270 : i1 to vector<16xi1>
    %reduce_max3A_272 = tpu.scan <max>, %add3A_265 masked %reduce_max3A_271 : vector<16xf32>, vector<16xi1> -> vector<16xf32>
    %reduce_max3A_273 = vector.extract %reduce_max3A_272[15] : f32 from vector<16xf32>
    %broadcast_in_dim3A_274 = vector.broadcast %reduce_max3A_273 : f32 to vector<16xf32>
    %get3A_275 = arith.constant 9 : i32
    %get3A_276 = arith.index_cast %get3A_275 : i32 to index
    %get3A_277 = arith.constant 0 : index
    %get3A_278 = tpu.vector_load %arg6[%get3A_276, %get3A_277] {strides = array<i32>} : memref<15x16xf32, #tpu.memory_space<vmem>>, vector<16xf32>,
    %reduce_max3A_279 = arith.constant true
    %reduce_max3A_280 = vector.broadcast %reduce_max3A_279 : i1 to vector<16xi1>
    %reduce_max3A_281 = tpu.scan <max>, %get3A_278 masked %reduce_max3A_280 : vector<16xf32>, vector<16xi1> -> vector<16xf32>
    %reduce_max3A_282 = vector.extract %reduce_max3A_281[15] : f32 from vector<16xf32>
    %sub3A_283 = vector.broadcast %reduce_max3A_282 : f32 to vector<16xf32>
    %sub3A_284 = arith.subf %get3A_278, %sub3A_283 : vector<16xf32>
    %exp3A_285 = math.exp %sub3A_284 : vector<16xf32>
    %reduce_sum3A_286 = arith.constant true
    %reduce_sum3A_287 = vector.broadcast %reduce_sum3A_286 : i1 to vector<16xi1>
    %reduce_sum3A_288 = tpu.scan <sum>, %exp3A_285 masked %reduce_sum3A_287 : vector<16xf32>, vector<16xi1> -> vector<16xf32>
    %reduce_sum3A_289 = vector.extract %reduce_sum3A_288[15] : f32 from vector<16xf32>
    %div3A_290 = vector.broadcast %reduce_sum3A_289 : f32 to vector<16xf32>
    %div3A_291 = arith.divf %exp3A_285, %div3A_290 : vector<16xf32>
    %broadcast_in_dim3A_292 = arith.constant true
    %broadcast_in_dim3A_293 = vector.broadcast %broadcast_in_dim3A_292 : i1 to vector<16xi1>
    %masked_cumsum3A_294 = tpu.scan <sum>, %div3A_291 masked %broadcast_in_dim3A_293 : vector<16xf32>, vector<16xi1> -> vector<16xf32>
    %add3A_295 = arith.addf %masked_cumsum3A_294, %broadcast_in_dim3A_274 : vector<16xf32>
    %sub3A_296 = arith.subf %add3A_295, %div3A_291 : vector<16xf32>
    %mul3A_297 = arith.mulf %sub3A_296, %div3A_8 : vector<16xf32>
    %swap3A_298 = arith.constant 144 : index
    %swap3A_299 = tpu.vector_load %arg8[%swap3A_298] {strides = array<i32>} : memref<256xf32, #tpu.memory_space<vmem>>, vector<16xf32>,
    tpu.vector_store %arg8[%swap3A_298], %mul3A_297 {strides = array<i32>} : memref<256xf32, #tpu.memory_space<vmem>>, vector<16xf32>,
    %reduce_max3A_300 = arith.constant true
    %reduce_max3A_301 = vector.broadcast %reduce_max3A_300 : i1 to vector<16xi1>
    %reduce_max3A_302 = tpu.scan <max>, %add3A_295 masked %reduce_max3A_301 : vector<16xf32>, vector<16xi1> -> vector<16xf32>
    %reduce_max3A_303 = vector.extract %reduce_max3A_302[15] : f32 from vector<16xf32>
    %broadcast_in_dim3A_304 = vector.broadcast %reduce_max3A_303 : f32 to vector<16xf32>
    %get3A_305 = arith.constant 10 : i32
    %get3A_306 = arith.index_cast %get3A_305 : i32 to index
    %get3A_307 = arith.constant 0 : index
    %get3A_308 = tpu.vector_load %arg6[%get3A_306, %get3A_307] {strides = array<i32>} : memref<15x16xf32, #tpu.memory_space<vmem>>, vector<16xf32>,
    %reduce_max3A_309 = arith.constant true
    %reduce_max3A_310 = vector.broadcast %reduce_max3A_309 : i1 to vector<16xi1>
    %reduce_max3A_311 = tpu.scan <max>, %get3A_308 masked %reduce_max3A_310 : vector<16xf32>, vector<16xi1> -> vector<16xf32>
    %reduce_max3A_312 = vector.extract %reduce_max3A_311[15] : f32 from vector<16xf32>
    %sub3A_313 = vector.broadcast %reduce_max3A_312 : f32 to vector<16xf32>
    %sub3A_314 = arith.subf %get3A_308, %sub3A_313 : vector<16xf32>
    %exp3A_315 = math.exp %sub3A_314 : vector<16xf32>
    %reduce_sum3A_316 = arith.constant true
    %reduce_sum3A_317 = vector.broadcast %reduce_sum3A_316 : i1 to vector<16xi1>
    %reduce_sum3A_318 = tpu.scan <sum>, %exp3A_315 masked %reduce_sum3A_317 : vector<16xf32>, vector<16xi1> -> vector<16xf32>
    %reduce_sum3A_319 = vector.extract %reduce_sum3A_318[15] : f32 from vector<16xf32>
    %div3A_320 = vector.broadcast %reduce_sum3A_319 : f32 to vector<16xf32>
    %div3A_321 = arith.divf %exp3A_315, %div3A_320 : vector<16xf32>
    %broadcast_in_dim3A_322 = arith.constant true
    %broadcast_in_dim3A_323 = vector.broadcast %broadcast_in_dim3A_322 : i1 to vector<16xi1>
    %masked_cumsum3A_324 = tpu.scan <sum>, %div3A_321 masked %broadcast_in_dim3A_323 : vector<16xf32>, vector<16xi1> -> vector<16xf32>
    %add3A_325 = arith.addf %masked_cumsum3A_324, %broadcast_in_dim3A_304 : vector<16xf32>
    %sub3A_326 = arith.subf %add3A_325, %div3A_321 : vector<16xf32>
    %mul3A_327 = arith.mulf %sub3A_326, %div3A_8 : vector<16xf32>
    %swap3A_328 = arith.constant 160 : index
    %swap3A_329 = tpu.vector_load %arg8[%swap3A_328] {strides = array<i32>} : memref<256xf32, #tpu.memory_space<vmem>>, vector<16xf32>,
    tpu.vector_store %arg8[%swap3A_328], %mul3A_327 {strides = array<i32>} : memref<256xf32, #tpu.memory_space<vmem>>, vector<16xf32>,
    %reduce_max3A_330 = arith.constant true
    %reduce_max3A_331 = vector.broadcast %reduce_max3A_330 : i1 to vector<16xi1>
    %reduce_max3A_332 = tpu.scan <max>, %add3A_325 masked %reduce_max3A_331 : vector<16xf32>, vector<16xi1> -> vector<16xf32>
    %reduce_max3A_333 = vector.extract %reduce_max3A_332[15] : f32 from vector<16xf32>
    %broadcast_in_dim3A_334 = vector.broadcast %reduce_max3A_333 : f32 to vector<16xf32>
    %get3A_335 = arith.constant 11 : i32
    %get3A_336 = arith.index_cast %get3A_335 : i32 to index
    %get3A_337 = arith.constant 0 : index
    %get3A_338 = tpu.vector_load %arg6[%get3A_336, %get3A_337] {strides = array<i32>} : memref<15x16xf32, #tpu.memory_space<vmem>>, vector<16xf32>,
    %reduce_max3A_339 = arith.constant true
    %reduce_max3A_340 = vector.broadcast %reduce_max3A_339 : i1 to vector<16xi1>
    %reduce_max3A_341 = tpu.scan <max>, %get3A_338 masked %reduce_max3A_340 : vector<16xf32>, vector<16xi1> -> vector<16xf32>
    %reduce_max3A_342 = vector.extract %reduce_max3A_341[15] : f32 from vector<16xf32>
    %sub3A_343 = vector.broadcast %reduce_max3A_342 : f32 to vector<16xf32>
    %sub3A_344 = arith.subf %get3A_338, %sub3A_343 : vector<16xf32>
    %exp3A_345 = math.exp %sub3A_344 : vector<16xf32>
    %reduce_sum3A_346 = arith.constant true
    %reduce_sum3A_347 = vector.broadcast %reduce_sum3A_346 : i1 to vector<16xi1>
    %reduce_sum3A_348 = tpu.scan <sum>, %exp3A_345 masked %reduce_sum3A_347 : vector<16xf32>, vector<16xi1> -> vector<16xf32>
    %reduce_sum3A_349 = vector.extract %reduce_sum3A_348[15] : f32 from vector<16xf32>
    %div3A_350 = vector.broadcast %reduce_sum3A_349 : f32 to vector<16xf32>
    %div3A_351 = arith.divf %exp3A_345, %div3A_350 : vector<16xf32>
    %broadcast_in_dim3A_352 = arith.constant true
    %broadcast_in_dim3A_353 = vector.broadcast %broadcast_in_dim3A_352 : i1 to vector<16xi1>
    %masked_cumsum3A_354 = tpu.scan <sum>, %div3A_351 masked %broadcast_in_dim3A_353 : vector<16xf32>, vector<16xi1> -> vector<16xf32>
    %add3A_355 = arith.addf %masked_cumsum3A_354, %broadcast_in_dim3A_334 : vector<16xf32>
    %sub3A_356 = arith.subf %add3A_355, %div3A_351 : vector<16xf32>
    %mul3A_357 = arith.mulf %sub3A_356, %div3A_8 : vector<16xf32>
    %swap3A_358 = arith.constant 176 : index
    %swap3A_359 = tpu.vector_load %arg8[%swap3A_358] {strides = array<i32>} : memref<256xf32, #tpu.memory_space<vmem>>, vector<16xf32>,
    tpu.vector_store %arg8[%swap3A_358], %mul3A_357 {strides = array<i32>} : memref<256xf32, #tpu.memory_space<vmem>>, vector<16xf32>,
    %reduce_max3A_360 = arith.constant true
    %reduce_max3A_361 = vector.broadcast %reduce_max3A_360 : i1 to vector<16xi1>
    %reduce_max3A_362 = tpu.scan <max>, %add3A_355 masked %reduce_max3A_361 : vector<16xf32>, vector<16xi1> -> vector<16xf32>
    %reduce_max3A_363 = vector.extract %reduce_max3A_362[15] : f32 from vector<16xf32>
    %broadcast_in_dim3A_364 = vector.broadcast %reduce_max3A_363 : f32 to vector<16xf32>
    %get3A_365 = arith.constant 12 : i32
    %get3A_366 = arith.index_cast %get3A_365 : i32 to index
    %get3A_367 = arith.constant 0 : index
    %get3A_368 = tpu.vector_load %arg6[%get3A_366, %get3A_367] {strides = array<i32>} : memref<15x16xf32, #tpu.memory_space<vmem>>, vector<16xf32>,
    %reduce_max3A_369 = arith.constant true
    %reduce_max3A_370 = vector.broadcast %reduce_max3A_369 : i1 to vector<16xi1>
    %reduce_max3A_371 = tpu.scan <max>, %get3A_368 masked %reduce_max3A_370 : vector<16xf32>, vector<16xi1> -> vector<16xf32>
    %reduce_max3A_372 = vector.extract %reduce_max3A_371[15] : f32 from vector<16xf32>
    %sub3A_373 = vector.broadcast %reduce_max3A_372 : f32 to vector<16xf32>
    %sub3A_374 = arith.subf %get3A_368, %sub3A_373 : vector<16xf32>
    %exp3A_375 = math.exp %sub3A_374 : vector<16xf32>
    %reduce_sum3A_376 = arith.constant true
    %reduce_sum3A_377 = vector.broadcast %reduce_sum3A_376 : i1 to vector<16xi1>
    %reduce_sum3A_378 = tpu.scan <sum>, %exp3A_375 masked %reduce_sum3A_377 : vector<16xf32>, vector<16xi1> -> vector<16xf32>
    %reduce_sum3A_379 = vector.extract %reduce_sum3A_378[15] : f32 from vector<16xf32>
    %div3A_380 = vector.broadcast %reduce_sum3A_379 : f32 to vector<16xf32>
    %div3A_381 = arith.divf %exp3A_375, %div3A_380 : vector<16xf32>
    %broadcast_in_dim3A_382 = arith.constant true
    %broadcast_in_dim3A_383 = vector.broadcast %broadcast_in_dim3A_382 : i1 to vector<16xi1>
    %masked_cumsum3A_384 = tpu.scan <sum>, %div3A_381 masked %broadcast_in_dim3A_383 : vector<16xf32>, vector<16xi1> -> vector<16xf32>
    %add3A_385 = arith.addf %masked_cumsum3A_384, %broadcast_in_dim3A_364 : vector<16xf32>
    %sub3A_386 = arith.subf %add3A_385, %div3A_381 : vector<16xf32>
    %mul3A_387 = arith.mulf %sub3A_386, %div3A_8 : vector<16xf32>
    %swap3A_388 = arith.constant 192 : index
    %swap3A_389 = tpu.vector_load %arg8[%swap3A_388] {strides = array<i32>} : memref<256xf32, #tpu.memory_space<vmem>>, vector<16xf32>,
    tpu.vector_store %arg8[%swap3A_388], %mul3A_387 {strides = array<i32>} : memref<256xf32, #tpu.memory_space<vmem>>, vector<16xf32>,
    %reduce_max3A_390 = arith.constant true
    %reduce_max3A_391 = vector.broadcast %reduce_max3A_390 : i1 to vector<16xi1>
    %reduce_max3A_392 = tpu.scan <max>, %add3A_385 masked %reduce_max3A_391 : vector<16xf32>, vector<16xi1> -> vector<16xf32>
    %reduce_max3A_393 = vector.extract %reduce_max3A_392[15] : f32 from vector<16xf32>
    %broadcast_in_dim3A_394 = vector.broadcast %reduce_max3A_393 : f32 to vector<16xf32>
    %get3A_395 = arith.constant 13 : i32
    %get3A_396 = arith.index_cast %get3A_395 : i32 to index
    %get3A_397 = arith.constant 0 : index
    %get3A_398 = tpu.vector_load %arg6[%get3A_396, %get3A_397] {strides = array<i32>} : memref<15x16xf32, #tpu.memory_space<vmem>>, vector<16xf32>,
    %reduce_max3A_399 = arith.constant true
    %reduce_max3A_400 = vector.broadcast %reduce_max3A_399 : i1 to vector<16xi1>
    %reduce_max3A_401 = tpu.scan <max>, %get3A_398 masked %reduce_max3A_400 : vector<16xf32>, vector<16xi1> -> vector<16xf32>
    %reduce_max3A_402 = vector.extract %reduce_max3A_401[15] : f32 from vector<16xf32>
    %sub3A_403 = vector.broadcast %reduce_max3A_402 : f32 to vector<16xf32>
    %sub3A_404 = arith.subf %get3A_398, %sub3A_403 : vector<16xf32>
    %exp3A_405 = math.exp %sub3A_404 : vector<16xf32>
    %reduce_sum3A_406 = arith.constant true
    %reduce_sum3A_407 = vector.broadcast %reduce_sum3A_406 : i1 to vector<16xi1>
    %reduce_sum3A_408 = tpu.scan <sum>, %exp3A_405 masked %reduce_sum3A_407 : vector<16xf32>, vector<16xi1> -> vector<16xf32>
    %reduce_sum3A_409 = vector.extract %reduce_sum3A_408[15] : f32 from vector<16xf32>
    %div3A_410 = vector.broadcast %reduce_sum3A_409 : f32 to vector<16xf32>
    %div3A_411 = arith.divf %exp3A_405, %div3A_410 : vector<16xf32>
    %broadcast_in_dim3A_412 = arith.constant true
    %broadcast_in_dim3A_413 = vector.broadcast %broadcast_in_dim3A_412 : i1 to vector<16xi1>
    %masked_cumsum3A_414 = tpu.scan <sum>, %div3A_411 masked %broadcast_in_dim3A_413 : vector<16xf32>, vector<16xi1> -> vector<16xf32>
    %add3A_415 = arith.addf %masked_cumsum3A_414, %broadcast_in_dim3A_394 : vector<16xf32>
    %sub3A_416 = arith.subf %add3A_415, %div3A_411 : vector<16xf32>
    %mul3A_417 = arith.mulf %sub3A_416, %div3A_8 : vector<16xf32>
    %swap3A_418 = arith.constant 208 : index
    %swap3A_419 = tpu.vector_load %arg8[%swap3A_418] {strides = array<i32>} : memref<256xf32, #tpu.memory_space<vmem>>, vector<16xf32>,
    tpu.vector_store %arg8[%swap3A_418], %mul3A_417 {strides = array<i32>} : memref<256xf32, #tpu.memory_space<vmem>>, vector<16xf32>,
    %reduce_max3A_420 = arith.constant true
    %reduce_max3A_421 = vector.broadcast %reduce_max3A_420 : i1 to vector<16xi1>
    %reduce_max3A_422 = tpu.scan <max>, %add3A_415 masked %reduce_max3A_421 : vector<16xf32>, vector<16xi1> -> vector<16xf32>
    %reduce_max3A_423 = vector.extract %reduce_max3A_422[15] : f32 from vector<16xf32>
    %broadcast_in_dim3A_424 = vector.broadcast %reduce_max3A_423 : f32 to vector<16xf32>
    %get3A_425 = arith.constant 14 : i32
    %get3A_426 = arith.index_cast %get3A_425 : i32 to index
    %get3A_427 = arith.constant 0 : index
    %get3A_428 = tpu.vector_load %arg6[%get3A_426, %get3A_427] {strides = array<i32>} : memref<15x16xf32, #tpu.memory_space<vmem>>, vector<16xf32>,
    %reduce_max3A_429 = arith.constant true
    %reduce_max3A_430 = vector.broadcast %reduce_max3A_429 : i1 to vector<16xi1>
    %reduce_max3A_431 = tpu.scan <max>, %get3A_428 masked %reduce_max3A_430 : vector<16xf32>, vector<16xi1> -> vector<16xf32>
    %reduce_max3A_432 = vector.extract %reduce_max3A_431[15] : f32 from vector<16xf32>
    %sub3A_433 = vector.broadcast %reduce_max3A_432 : f32 to vector<16xf32>
    %sub3A_434 = arith.subf %get3A_428, %sub3A_433 : vector<16xf32>
    %exp3A_435 = math.exp %sub3A_434 : vector<16xf32>
    %reduce_sum3A_436 = arith.constant true
    %reduce_sum3A_437 = vector.broadcast %reduce_sum3A_436 : i1 to vector<16xi1>
    %reduce_sum3A_438 = tpu.scan <sum>, %exp3A_435 masked %reduce_sum3A_437 : vector<16xf32>, vector<16xi1> -> vector<16xf32>
    %reduce_sum3A_439 = vector.extract %reduce_sum3A_438[15] : f32 from vector<16xf32>
    %div3A_440 = vector.broadcast %reduce_sum3A_439 : f32 to vector<16xf32>
    %div3A_441 = arith.divf %exp3A_435, %div3A_440 : vector<16xf32>
    %broadcast_in_dim3A_442 = arith.constant true
    %broadcast_in_dim3A_443 = vector.broadcast %broadcast_in_dim3A_442 : i1 to vector<16xi1>
    %masked_cumsum3A_444 = tpu.scan <sum>, %div3A_441 masked %broadcast_in_dim3A_443 : vector<16xf32>, vector<16xi1> -> vector<16xf32>
    %add3A_445 = arith.addf %masked_cumsum3A_444, %broadcast_in_dim3A_424 : vector<16xf32>
    %sub3A_446 = arith.subf %add3A_445, %div3A_441 : vector<16xf32>
    %mul3A_447 = arith.mulf %sub3A_446, %div3A_8 : vector<16xf32>
    %swap3A_448 = arith.constant 224 : index
    %swap3A_449 = tpu.vector_load %arg8[%swap3A_448] {strides = array<i32>} : memref<256xf32, #tpu.memory_space<vmem>>, vector<16xf32>,
    tpu.vector_store %arg8[%swap3A_448], %mul3A_447 {strides = array<i32>} : memref<256xf32, #tpu.memory_space<vmem>>, vector<16xf32>,
    %reduce_max3A_450 = arith.constant true
    %reduce_max3A_451 = vector.broadcast %reduce_max3A_450 : i1 to vector<16xi1>
    %reduce_max3A_452 = tpu.scan <max>, %add3A_445 masked %reduce_max3A_451 : vector<16xf32>, vector<16xi1> -> vector<16xf32>
    %reduce_max3A_453 = vector.extract %reduce_max3A_452[15] : f32 from vector<16xf32>
    %broadcast_in_dim3A_454 = vector.broadcast %reduce_max3A_453 : f32 to vector<16xf32>
    %mul3A_455 = arith.mulf %broadcast_in_dim3A_454, %div3A_8 : vector<16xf32>
    %swap3A_456 = arith.constant 240 : index
    %swap3A_457 = tpu.vector_load %arg8[%swap3A_456] {strides = array<i32>} : memref<256xf32, #tpu.memory_space<vmem>>, vector<16xf32>,
    tpu.vector_store %arg8[%swap3A_456], %mul3A_455 {strides = array<i32>} : memref<256xf32, #tpu.memory_space<vmem>>, vector<16xf32>,
    %add3A_458 = arith.constant 0 : i32
    %add3A_459 = arith.addi %mul3A_2, %add3A_458 : i32
    %dma_start3A = tpu.memref_slice %arg2[%add3A_459] : memref<12845056xf32, #tpu.memory_space<hbm>> -> memref<25088xf32, #tpu.memory_space<hbm>>
    %dma_start3A_460 = tpu.memref_slice %arg2[%add3A_459] : memref<12845056xf32, #tpu.memory_space<hbm>> -> memref<25088xf32, #tpu.memory_space<hbm>>
    tpu.enqueue_dma source(%dma_start3A_460 : memref<25088xf32, #tpu.memory_space<hbm>>) target(%arg9 : memref<25088xf32, #tpu.memory_space<vmem>>) target_semaphore(%arg13 : memref<!tpu.dma_semaphore, #tpu.memory_space<semaphore_mem>>)
    %add3A_461 = arith.constant 25088 : i32
    %add3A_462 = arith.addi %mul3A_2, %add3A_461 : i32
    %dma_start3A_463 = tpu.memref_slice %arg2[%add3A_462] : memref<12845056xf32, #tpu.memory_space<hbm>> -> memref<25088xf32, #tpu.memory_space<hbm>>
    %dma_start3A_464 = tpu.memref_slice %arg2[%add3A_462] : memref<12845056xf32, #tpu.memory_space<hbm>> -> memref<25088xf32, #tpu.memory_space<hbm>>
    tpu.enqueue_dma source(%dma_start3A_464 : memref<25088xf32, #tpu.memory_space<hbm>>) target(%arg10 : memref<25088xf32, #tpu.memory_space<vmem>>) target_semaphore(%arg14 : memref<!tpu.dma_semaphore, #tpu.memory_space<semaphore_mem>>)
    %scan3A = arith.constant 0 : i32
    %scan3A_465 = arith.constant 8 : i32
    %scan3A_466 = arith.addi %scan3A, %scan3A_465 : i32
    %scan3A_467 = arith.constant 1 : i32
    scf.for %scan3A_476 = %scan3A to %scan3A_466 step %scan3A_467  : i32 {
      %mul3A_477 = arith.constant 2 : i32
      %mul3A_478 = arith.muli %scan3A_476, %mul3A_477 : i32
      %add3A_479 = arith.constant 0 : i32
      %add3A_480 = arith.addi %mul3A_478, %add3A_479 : i32
      %mul3A_481 = arith.constant 25088 : i32
      %mul3A_482 = arith.muli %add3A_480, %mul3A_481 : i32
      %add3A_483 = arith.addi %mul3A_2, %mul3A_482 : i32
      %dma_wait3A_484 = tpu.memref_slice %arg2[%add3A_483] : memref<12845056xf32, #tpu.memory_space<hbm>> -> memref<25088xf32, #tpu.memory_space<hbm>>
      %dma_wait3A_485 = tpu.memref_slice %arg2[%add3A_483] : memref<12845056xf32, #tpu.memory_space<hbm>> -> memref<25088xf32, #tpu.memory_space<hbm>>
      tpu.wait_dma2 semaphore(%arg13 : memref<!tpu.dma_semaphore, #tpu.memory_space<semaphore_mem>>) src(%dma_wait3A_485 : memref<25088xf32, #tpu.memory_space<hbm>>) dst(%arg9 : memref<25088xf32, #tpu.memory_space<vmem>>)
      %gt3A = arith.constant 0 : i32
      %gt3A_486 = arith.cmpi sgt, %scan3A_476, %gt3A : i32
      %convert_element_type3A = arith.extui %gt3A_486 : i1 to i32
      %cond3A = arith.constant 0 : i32
      %cond3A_487 = arith.cmpi ne, %convert_element_type3A, %cond3A : i32
      scf.if %cond3A_487 {
        %sub3A_526 = arith.constant 2 : i32
        %sub3A_527 = arith.subi %add3A_480, %sub3A_526 : i32
        %mul3A_528 = arith.constant 25088 : i32
        %mul3A_529 = arith.muli %sub3A_527, %mul3A_528 : i32
        %add3A_530 = arith.addi %mul3A_2, %mul3A_529 : i32
        %dma_wait3A_531 = tpu.memref_slice %arg5[%add3A_530] : memref<12845056xf32, #tpu.memory_space<hbm>> -> memref<25088xf32, #tpu.memory_space<hbm>>
        %dma_wait3A_532 = tpu.memref_slice %arg5[%add3A_530] : memref<12845056xf32, #tpu.memory_space<hbm>> -> memref<25088xf32, #tpu.memory_space<hbm>>
        tpu.wait_dma2 semaphore(%arg15 : memref<!tpu.dma_semaphore, #tpu.memory_space<semaphore_mem>>) src(%arg11 : memref<25088xf32, #tpu.memory_space<vmem>>) dst(%dma_wait3A_532 : memref<25088xf32, #tpu.memory_space<hbm>>)
      } else {
      }
      %parallel_loop3A = arith.constant 0 : i32
      %parallel_loop3A_488 = arith.constant 25088 : i32
      %parallel_loop3A_489 = arith.constant 16 : i32
      scf.for %parallel_loop3A_526 = %parallel_loop3A to %parallel_loop3A_488 step %parallel_loop3A_489  : i32 {
        %parallel_loop3A_527 = arith.index_cast %parallel_loop3A_526 : i32 to index
        %parallel_loop3A_528 = tpu.vector_load %arg9[%parallel_loop3A_527] {strides = array<i32>} : memref<25088xf32, #tpu.memory_space<vmem>>, vector<16xf32>,
        %parallel_loop3A_529 = arith.mulf %parallel_loop3A_528, %div3A_5 : vector<16xf32>
        %parallel_loop3A_530 = arith.constant 5.000000e-01 : f32
        %parallel_loop3A_531 = vector.broadcast %parallel_loop3A_530 : f32 to vector<16xf32>
        %parallel_loop3A_532 = arith.addf %parallel_loop3A_529, %parallel_loop3A_531 : vector<16xf32>
        %parallel_loop3A_533 = arith.constant 0.000000e+00 : f32
        %parallel_loop3A_534 = vector.broadcast %parallel_loop3A_533 : f32 to vector<16xf32>
        %parallel_loop3A_535 = arith.maximumf %parallel_loop3A_532, %parallel_loop3A_534 : vector<16xf32>
        %parallel_loop3A_536 = arith.constant 2.409000e+02 : f32
        %parallel_loop3A_537 = vector.broadcast %parallel_loop3A_536 : f32 to vector<16xf32>
        %parallel_loop3A_538 = arith.minimumf %parallel_loop3A_535, %parallel_loop3A_537 : vector<16xf32>
        %parallel_loop3A_539 = arith.fptosi %parallel_loop3A_538 : vector<16xf32> to vector<16xi32>
        %parallel_loop3A_540 = tpu.vector_load_idx %arg8[%parallel_loop3A_539] : memref<256xf32, #tpu.memory_space<vmem>>[vector<16xi32>], vector<16xf32>,
        %parallel_loop3A_541 = arith.index_cast %parallel_loop3A_526 : i32 to index
        %parallel_loop3A_542 = tpu.vector_load %arg11[%parallel_loop3A_541] {strides = array<i32>} : memref<25088xf32, #tpu.memory_space<vmem>>, vector<16xf32>,
        tpu.vector_store %arg11[%parallel_loop3A_541], %parallel_loop3A_540 {strides = array<i32>} : memref<25088xf32, #tpu.memory_space<vmem>>, vector<16xf32>,
      } {sc.loop_unroll_factor = 16 : i64, sc.parallel_access}
      %mul3A_490 = arith.constant 25088 : i32
      %mul3A_491 = arith.muli %add3A_480, %mul3A_490 : i32
      %add3A_492 = arith.addi %mul3A_2, %mul3A_491 : i32
      %dma_start3A_493 = tpu.memref_slice %arg5[%add3A_492] : memref<12845056xf32, #tpu.memory_space<hbm>> -> memref<25088xf32, #tpu.memory_space<hbm>>
      %dma_start3A_494 = tpu.memref_slice %arg5[%add3A_492] : memref<12845056xf32, #tpu.memory_space<hbm>> -> memref<25088xf32, #tpu.memory_space<hbm>>
      tpu.enqueue_dma source(%arg11 : memref<25088xf32, #tpu.memory_space<vmem>>) target(%dma_start3A_494 : memref<25088xf32, #tpu.memory_space<hbm>>) target_semaphore(%arg15 : memref<!tpu.dma_semaphore, #tpu.memory_space<semaphore_mem>>)
      %lt3A = arith.constant 7 : i32
      %lt3A_495 = arith.cmpi slt, %scan3A_476, %lt3A : i32
      %convert_element_type3A_496 = arith.extui %lt3A_495 : i1 to i32
      %cond3A_497 = arith.constant 0 : i32
      %cond3A_498 = arith.cmpi ne, %convert_element_type3A_496, %cond3A_497 : i32
      scf.if %cond3A_498 {
        %add3A_526 = arith.constant 2 : i32
        %add3A_527 = arith.addi %add3A_480, %add3A_526 : i32
        %mul3A_528 = arith.constant 25088 : i32
        %mul3A_529 = arith.muli %add3A_527, %mul3A_528 : i32
        %add3A_530 = arith.addi %mul3A_2, %mul3A_529 : i32
        %dma_start3A_531 = tpu.memref_slice %arg2[%add3A_530] : memref<12845056xf32, #tpu.memory_space<hbm>> -> memref<25088xf32, #tpu.memory_space<hbm>>
        %dma_start3A_532 = tpu.memref_slice %arg2[%add3A_530] : memref<12845056xf32, #tpu.memory_space<hbm>> -> memref<25088xf32, #tpu.memory_space<hbm>>
        tpu.enqueue_dma source(%dma_start3A_532 : memref<25088xf32, #tpu.memory_space<hbm>>) target(%arg9 : memref<25088xf32, #tpu.memory_space<vmem>>) target_semaphore(%arg13 : memref<!tpu.dma_semaphore, #tpu.memory_space<semaphore_mem>>)
      } else {
      }
      %mul3A_499 = arith.constant 2 : i32
      %mul3A_500 = arith.muli %scan3A_476, %mul3A_499 : i32
      %add3A_501 = arith.constant 1 : i32
      %add3A_502 = arith.addi %mul3A_500, %add3A_501 : i32
      %mul3A_503 = arith.constant 25088 : i32
      %mul3A_504 = arith.muli %add3A_502, %mul3A_503 : i32
      %add3A_505 = arith.addi %mul3A_2, %mul3A_504 : i32
      %dma_wait3A_506 = tpu.memref_slice %arg2[%add3A_505] : memref<12845056xf32, #tpu.memory_space<hbm>> -> memref<25088xf32, #tpu.memory_space<hbm>>
      %dma_wait3A_507 = tpu.memref_slice %arg2[%add3A_505] : memref<12845056xf32, #tpu.memory_space<hbm>> -> memref<25088xf32, #tpu.memory_space<hbm>>
      tpu.wait_dma2 semaphore(%arg14 : memref<!tpu.dma_semaphore, #tpu.memory_space<semaphore_mem>>) src(%dma_wait3A_507 : memref<25088xf32, #tpu.memory_space<hbm>>) dst(%arg10 : memref<25088xf32, #tpu.memory_space<vmem>>)
      %gt3A_508 = arith.constant 0 : i32
      %gt3A_509 = arith.cmpi sgt, %scan3A_476, %gt3A_508 : i32
      %convert_element_type3A_510 = arith.extui %gt3A_509 : i1 to i32
      %cond3A_511 = arith.constant 0 : i32
      %cond3A_512 = arith.cmpi ne, %convert_element_type3A_510, %cond3A_511 : i32
      scf.if %cond3A_512 {
        %sub3A_526 = arith.constant 2 : i32
        %sub3A_527 = arith.subi %add3A_502, %sub3A_526 : i32
        %mul3A_528 = arith.constant 25088 : i32
        %mul3A_529 = arith.muli %sub3A_527, %mul3A_528 : i32
        %add3A_530 = arith.addi %mul3A_2, %mul3A_529 : i32
        %dma_wait3A_531 = tpu.memref_slice %arg5[%add3A_530] : memref<12845056xf32, #tpu.memory_space<hbm>> -> memref<25088xf32, #tpu.memory_space<hbm>>
        %dma_wait3A_532 = tpu.memref_slice %arg5[%add3A_530] : memref<12845056xf32, #tpu.memory_space<hbm>> -> memref<25088xf32, #tpu.memory_space<hbm>>
        tpu.wait_dma2 semaphore(%arg16 : memref<!tpu.dma_semaphore, #tpu.memory_space<semaphore_mem>>) src(%arg12 : memref<25088xf32, #tpu.memory_space<vmem>>) dst(%dma_wait3A_532 : memref<25088xf32, #tpu.memory_space<hbm>>)
      } else {
      }
      %parallel_loop3A_513 = arith.constant 0 : i32
      %parallel_loop3A_514 = arith.constant 25088 : i32
      %parallel_loop3A_515 = arith.constant 16 : i32
      scf.for %parallel_loop3A_526 = %parallel_loop3A_513 to %parallel_loop3A_514 step %parallel_loop3A_515  : i32 {
        %parallel_loop3A_527 = arith.index_cast %parallel_loop3A_526 : i32 to index
        %parallel_loop3A_528 = tpu.vector_load %arg10[%parallel_loop3A_527] {strides = array<i32>} : memref<25088xf32, #tpu.memory_space<vmem>>, vector<16xf32>,
        %parallel_loop3A_529 = arith.mulf %parallel_loop3A_528, %div3A_5 : vector<16xf32>
        %parallel_loop3A_530 = arith.constant 5.000000e-01 : f32
        %parallel_loop3A_531 = vector.broadcast %parallel_loop3A_530 : f32 to vector<16xf32>
        %parallel_loop3A_532 = arith.addf %parallel_loop3A_529, %parallel_loop3A_531 : vector<16xf32>
        %parallel_loop3A_533 = arith.constant 0.000000e+00 : f32
        %parallel_loop3A_534 = vector.broadcast %parallel_loop3A_533 : f32 to vector<16xf32>
        %parallel_loop3A_535 = arith.maximumf %parallel_loop3A_532, %parallel_loop3A_534 : vector<16xf32>
        %parallel_loop3A_536 = arith.constant 2.409000e+02 : f32
        %parallel_loop3A_537 = vector.broadcast %parallel_loop3A_536 : f32 to vector<16xf32>
        %parallel_loop3A_538 = arith.minimumf %parallel_loop3A_535, %parallel_loop3A_537 : vector<16xf32>
        %parallel_loop3A_539 = arith.fptosi %parallel_loop3A_538 : vector<16xf32> to vector<16xi32>
        %parallel_loop3A_540 = tpu.vector_load_idx %arg8[%parallel_loop3A_539] : memref<256xf32, #tpu.memory_space<vmem>>[vector<16xi32>], vector<16xf32>,
        %parallel_loop3A_541 = arith.index_cast %parallel_loop3A_526 : i32 to index
        %parallel_loop3A_542 = tpu.vector_load %arg12[%parallel_loop3A_541] {strides = array<i32>} : memref<25088xf32, #tpu.memory_space<vmem>>, vector<16xf32>,
        tpu.vector_store %arg12[%parallel_loop3A_541], %parallel_loop3A_540 {strides = array<i32>} : memref<25088xf32, #tpu.memory_space<vmem>>, vector<16xf32>,
      } {sc.loop_unroll_factor = 16 : i64, sc.parallel_access}
      %mul3A_516 = arith.constant 25088 : i32
      %mul3A_517 = arith.muli %add3A_502, %mul3A_516 : i32
      %add3A_518 = arith.addi %mul3A_2, %mul3A_517 : i32
      %dma_start3A_519 = tpu.memref_slice %arg5[%add3A_518] : memref<12845056xf32, #tpu.memory_space<hbm>> -> memref<25088xf32, #tpu.memory_space<hbm>>
      %dma_start3A_520 = tpu.memref_slice %arg5[%add3A_518] : memref<12845056xf32, #tpu.memory_space<hbm>> -> memref<25088xf32, #tpu.memory_space<hbm>>
      tpu.enqueue_dma source(%arg12 : memref<25088xf32, #tpu.memory_space<vmem>>) target(%dma_start3A_520 : memref<25088xf32, #tpu.memory_space<hbm>>) target_semaphore(%arg16 : memref<!tpu.dma_semaphore, #tpu.memory_space<semaphore_mem>>)
      %lt3A_521 = arith.constant 7 : i32
      %lt3A_522 = arith.cmpi slt, %scan3A_476, %lt3A_521 : i32
      %convert_element_type3A_523 = arith.extui %lt3A_522 : i1 to i32
      %cond3A_524 = arith.constant 0 : i32
      %cond3A_525 = arith.cmpi ne, %convert_element_type3A_523, %cond3A_524 : i32
      scf.if %cond3A_525 {
        %add3A_526 = arith.constant 2 : i32
        %add3A_527 = arith.addi %add3A_502, %add3A_526 : i32
        %mul3A_528 = arith.constant 25088 : i32
        %mul3A_529 = arith.muli %add3A_527, %mul3A_528 : i32
        %add3A_530 = arith.addi %mul3A_2, %mul3A_529 : i32
        %dma_start3A_531 = tpu.memref_slice %arg2[%add3A_530] : memref<12845056xf32, #tpu.memory_space<hbm>> -> memref<25088xf32, #tpu.memory_space<hbm>>
        %dma_start3A_532 = tpu.memref_slice %arg2[%add3A_530] : memref<12845056xf32, #tpu.memory_space<hbm>> -> memref<25088xf32, #tpu.memory_space<hbm>>
        tpu.enqueue_dma source(%dma_start3A_532 : memref<25088xf32, #tpu.memory_space<hbm>>) target(%arg10 : memref<25088xf32, #tpu.memory_space<vmem>>) target_semaphore(%arg14 : memref<!tpu.dma_semaphore, #tpu.memory_space<semaphore_mem>>)
      } else {
      }
    }
    %scan3A_468 = arith.constant 8 : i32
    %add3A_469 = arith.constant 351232 : i32
    %add3A_470 = arith.addi %mul3A_2, %add3A_469 : i32
    %dma_wait3A = tpu.memref_slice %arg5[%add3A_470] : memref<12845056xf32, #tpu.memory_space<hbm>> -> memref<25088xf32, #tpu.memory_space<hbm>>
    %dma_wait3A_471 = tpu.memref_slice %arg5[%add3A_470] : memref<12845056xf32, #tpu.memory_space<hbm>> -> memref<25088xf32, #tpu.memory_space<hbm>>
    tpu.wait_dma2 semaphore(%arg15 : memref<!tpu.dma_semaphore, #tpu.memory_space<semaphore_mem>>) src(%arg11 : memref<25088xf32, #tpu.memory_space<vmem>>) dst(%dma_wait3A_471 : memref<25088xf32, #tpu.memory_space<hbm>>)
    %add3A_472 = arith.constant 376320 : i32
    %add3A_473 = arith.addi %mul3A_2, %add3A_472 : i32
    %dma_wait3A_474 = tpu.memref_slice %arg5[%add3A_473] : memref<12845056xf32, #tpu.memory_space<hbm>> -> memref<25088xf32, #tpu.memory_space<hbm>>
    %dma_wait3A_475 = tpu.memref_slice %arg5[%add3A_473] : memref<12845056xf32, #tpu.memory_space<hbm>> -> memref<25088xf32, #tpu.memory_space<hbm>>
    tpu.wait_dma2 semaphore(%arg16 : memref<!tpu.dma_semaphore, #tpu.memory_space<semaphore_mem>>) src(%arg12 : memref<25088xf32, #tpu.memory_space<vmem>>) dst(%dma_wait3A_475 : memref<25088xf32, #tpu.memory_space<hbm>>)
    return
  }
}

</mosaic_0001>

<sc_bundles>
// kernel: kernel.3.cloned.1.call-start
scs
__scs_entry_jumppad:
0x0: {  	(pc) =	sbr.rel $0x88, $3  }
0x1: {  	(tag) =	ssettag $0x0;
	lr =	simm.s32 $0x1  }
0x2: {  	[smem:$0x3F9E] =	sst lr;
	_ =	strace $0xD0000000  }
0x3: {  	_ = 	snop  }
0x4: {  	_ = 	snop  }
0x5: {  	_ = 	snop  }
0x6: {  	_ = 	snop  }
0x7: {  	_ = 	snop  }
__scs_overlays_trampoline_lowered:
0x8: {  	[smem:$0x3FAD] =	sst s0  }
0x9: {  	[smem:$0x3FAE] =	sst s1  }
0xa: {  	[smem:$0x3FAF] =	sst s2  }
0xb: {  	[smem:$0x3FB0] =	sst s3  }
0xc: {  	[smem:$0x3FB1] =	sst s4  }
0xd: {  	[smem:$0x3FB2] =	sst s5  }
0xe: {  	[smem:$0x3FB3] =	sst s6  }
0xf: {  	[smem:$0x3FB4] =	sst s7  }
0x10: {  	[smem:$0x3FB5] =	sst s8  }
0x11: {  	[smem:$0x3FB6] =	sst s9;
	s0 =	simm.s32 @!p0 $0x0  }
0x12: {  	s1 =	sld [smem:$0x3F9C];
	s0 =	simm.s32 @p0 $0x1  }
0x13: {  	[smem:$0x3FB7] =	sst s0;
	s0 =	simm.s32 @!p1 $0x0  }
0x14: {  	s2 =	sld [smem:$0x3F9B];
	s0 =	simm.s32 @p1 $0x1  }
0x15: {  	[smem:$0x3FB8] =	sst s0;
	s0 =	simm.s32 @!p2 $0x0  }
0x16: {  	s3 =	sld [smem:$0x3FDB];
	s0 =	simm.s32 @p2 $0x1  }
0x17: {  	s4 =	simm.s32 $0x1BF5;
	[smem:$0x3FBA] =	sst s0  }
0x18: {  	s0 =	sld [smem:$0x3F9D];
	_ =	swait.ge [sflag:s4], $0x0  }
0x19: {  	s7 =	sld [smem:$0x3F9E]  }
0x1a: {  	s8 =	sadd.s32 $0xFFFFE003, lr  }
0x1b: {  	s9 =	sadd.s32 $0xFFFFFEF7, lr;
	s5 =	simm.s32 $0xFFFFFFFF;
	p2 =	slt.u32 s8, $0xFFFFF086  }
0x1c: {  	p1 =	slt.u32 s9, $0xF7A;
	s5 =	simm.s32 @!p2 $0x0  }
0x1d: {  	s5 =	simm.s32 @p1 $0x1;
	p0 =	seq.s32 s7, s2  }
0x1e: {  	s7 =	smul.u32 @!p0 $0xF7A, s2;
	p2 =	seq.s32 @!p0 s5, $0x0  }
0x1f: {  	s9 =	smul.u32 $0xF7A, s1;
	s8 =	simm.s32 @!p0 $0x1BF5;
	p2 =	por !p2, p0  }
0x20: {  	[sflag:s8] =	ssyncset.s32 @!p0 $0xFFFFF086;
	s6 =	sadd.s32 @!p0 s3, s7;
	s7 =	simm.s32 @!p0 $0x108  }
0x21: {  	s3 =	sadd.s32 s3, s9;
	s6 =	sadd.s32 @!p0 $0x88, s6;
	s7 =	simm.s32 @p2 $0x1082  }
0x22: {  	[simem:s7], [sflag:s8] =	dma.local @!p0 [hbm:s6], $0xF7A  }
0x23: {  	s9 =	sor.u32 $0xD0000000, s2;
	s6 =	simm.s32 $0x108;
	_ =	swait.ge @!p0 [sflag:s8], $0x0  }
0x24: {  	s3 =	sadd.s32 $0x88, s3;
	s6 =	simm.s32 @!p1 $0x1082;
	[sflag:s4] =	ssyncset.s32 $0xFFFFF086  }
0x25: {  	[simem:s6], [sflag:s4] =	dma.local [hbm:s3], $0xF7A  }
0x26: {  	[smem:$0x3F9E] =	sst s1;
	(tag) =	ssettag s2;
	_ =	strace s9  }
0x27: {  	s1 =	sld [smem:$0x3FAE]  }
0x28: {  	s2 =	sld [smem:$0x3FAF]  }
0x29: {  	s4 =	sld [smem:$0x3FB1]  }
0x2a: {  	p0 =	seq.s32 s5, $0x0;
	s5 =	sld [smem:$0x3FB2]  }
0x2b: {  	s6 =	sld [smem:$0x3FB3]  }
0x2c: {  	s7 =	sld [smem:$0x3FB4]  }
0x2d: {  	s3 =	simm.s32 $0x108;
	s8 =	sld [smem:$0x3FB5]  }
0x2e: {  	s3 =	simm.s32 @!p0 $0x1082;
	s9 =	sld [smem:$0x3FB6]  }
0x2f: {  	lr =	sadd.s32 s0, s3;
	s0 =	sld [smem:$0x3FAD]  }
0x30: {  	s3 =	sld [smem:$0x3FB0]  }
0x31: {  	[smem:$0x3FB9] =	sst s10  }
0x32: {  	s10 =	sld [smem:$0x3FB7];
	_ =	sdelay $0x3  }
0x33: {  	p0 =	seq.s32 s10, $0x1;
	s10 =	sld [smem:$0x3FB9];
	_ =	sdelay $0x3  }
0x34: {  	[smem:$0x3FB9] =	sst s10  }
0x35: {  	s10 =	sld [smem:$0x3FB8];
	_ =	sdelay $0x3  }
0x36: {  	p1 =	seq.s32 s10, $0x1;
	s10 =	sld [smem:$0x3FB9];
	_ =	sdelay $0x3  }
0x37: {  	[smem:$0x3FB9] =	sst s10  }
0x38: {  	s10 =	sld [smem:$0x3FBA]  }
0x39: {  	_ = 	snop;
	(pc) =	sbr.ind lr, $3  }
0x3a: {  	_ = 	snop  }
0x3b: {  	_ = 	snop  }
0x3c: {  	p2 =	seq.s32 s10, $0x1;
	s10 =	sld [smem:$0x3FB9]  }
0x3d: {  	_ =	shalt  }
0x3e: {  	_ =	shalt  }
0x3f: {  	_ =	shalt  }
0x40: {  	_ =	shalt  }
0x41: {  	_ =	shalt  }
0x42: {  	_ =	shalt  }
0x43: {  	_ =	shalt  }
0x44: {  	_ =	shalt  }
0x45: {  	_ =	shalt  }
0x46: {  	_ =	shalt  }
0x47: {  	_ =	shalt  }
0x48: {  	_ =	shalt  }
0x49: {  	_ =	shalt  }
0x4a: {  	_ =	shalt  }
0x4b: {  	_ =	shalt  }
0x4c: {  	_ =	shalt  }
0x4d: {  	_ =	shalt  }
0x4e: {  	_ =	shalt  }
0x4f: {  	_ =	shalt  }
0x50: {  	_ =	shalt  }
0x51: {  	_ =	shalt  }
0x52: {  	_ =	shalt  }
0x53: {  	_ =	shalt  }
0x54: {  	_ =	shalt  }
0x55: {  	_ =	shalt  }
0x56: {  	_ =	shalt  }
0x57: {  	_ =	shalt  }
0x58: {  	_ =	shalt  }
0x59: {  	_ =	shalt  }
0x5a: {  	_ =	shalt  }
0x5b: {  	_ =	shalt  }
0x5c: {  	_ =	shalt  }
0x5d: {  	_ =	shalt  }
0x5e: {  	_ =	shalt  }
0x5f: {  	_ =	shalt  }
0x60: {  	_ =	shalt  }
0x61: {  	_ =	shalt  }
0x62: {  	_ =	shalt  }
0x63: {  	_ =	shalt  }
0x64: {  	_ =	shalt  }
0x65: {  	_ =	shalt  }
0x66: {  	_ =	shalt  }
0x67: {  	_ =	shalt  }
0x68: {  	_ =	shalt  }
0x69: {  	_ =	shalt  }
0x6a: {  	_ =	shalt  }
0x6b: {  	_ =	shalt  }
0x6c: {  	_ =	shalt  }
0x6d: {  	_ =	shalt  }
0x6e: {  	_ =	shalt  }
0x6f: {  	_ =	shalt  }
0x70: {  	_ =	shalt  }
0x71: {  	_ =	shalt  }
0x72: {  	_ =	shalt  }
0x73: {  	_ =	shalt  }
0x74: {  	_ =	shalt  }
0x75: {  	_ =	shalt  }
0x76: {  	_ =	shalt  }
0x77: {  	_ =	shalt  }
0x78: {  	_ =	shalt  }
0x79: {  	_ =	shalt  }
0x7a: {  	_ =	shalt  }
0x7b: {  	_ =	shalt  }
0x7c: {  	_ =	shalt  }
0x7d: {  	_ =	shalt  }
0x7e: {  	_ =	shalt  }
0x7f: {  	_ =	shalt  }
0x80: {  	_ =	shalt  }
0x81: {  	_ =	shalt  }
0x82: {  	_ =	shalt  }
0x83: {  	_ =	shalt  }
0x84: {  	_ =	shalt  }
0x85: {  	_ =	shalt  }
0x86: {  	_ =	shalt  }
0x87: {  	_ =	shalt  }
.Lfunc_end0:
.L_simem_size_0:
called_computation_lowered:
.L_overlay_start_0:
0x88: {  	s2 =	sld [smem:$0x3FD9]  }
0x89: {  	s3 =	sld [smem:$0x3FFE];
	_ =	sdelay $0x1  }
0x8a: {  	s1 =	srdreg.scid  }
0x8b: {  	s0 =	sand.u32 $0x1, s1  }
0x8c: {  	s17 =	sshll.u32 s0, $0xA;
	s2 =	sadd.s32 s3, s2  }
0x8d: {  	s2 =	sadd.s32 s2, s17  }
0x8e: {  	[smem:$0x3FC5] =	sst s2  }
0x8f: {  	_ = 	snop  }
0x90: {  	s2 =	sld [smem:$0x3FC9]  }
0x91: {  	s18 =	sld [smem:$0x3FC8]  }
0x92: {  	s4 =	sld [smem:$0x3FD0];
	(tm) =	ssettm $0x1  }
0x93: {  	s5 =	sld [smem:$0x3FFB];
	_ =	sdelay $0x3  }
0x94: {  	_ =	strace s5  }
0x95: {  	s5 =	sld [smem:$0x3FFC];
	_ =	sdelay $0x3  }
0x96: {  	_ =	strace s5  }
0x97: {  	s5 =	sld [smem:$0x3FFD];
	_ =	sdelay $0x3  }
0x98: {  	_ =	strace s5  }
0x99: {  	_ =	strace $0x8FFFFFFF  }
0x9a: {  	s19 =	sld [smem:$0x3FDB];
	_ =	sdelay $0x1  }
0x9b: {  	s6 =	simm.s32 $_scs_section_size  }
0x9c: {  	s7 =	simm.s32 $_size__tile_overlayer_lowered;
	s8 =	simm.s32 $_tile_overlayer_lowered  }
0x9d: {  	s22 =	simm.s32 $0x1BFF;
	s21 =	sshll.u32 s8, $0x1;
	s5 =	sadd.s32 s6, s19  }
0x9e: {  	s9 =	simm.s32 $0x0;
	s20 =	sshll.u32 s7, $0x1;
	s7 =	sadd.s32 s21, s5  }
0x9f: {  	[timem:s9], [sflag:s22] =	dma.local [hbm:s7], s20  }
0xa0: {  	_ =	swait.ge [sflag:s22], s20  }
0xa1: {  	s6 =	ssub.s32 $0x0, s20;
	[sflag:s22] =	ssyncset.done $0x0  }
0xa2: {  	[sflag:s22] =	ssyncadd.s32 s6;
	_ =	sdelay $0x1  }
0xa3: {  	s23 =	simm.s32 $0x1B8B  }
0xa4: {  	_ =	swait.ge [sflag:s23], $0x1  }
0xa5: {  	[sflag:s23] =	ssyncset.done $0x0  }
0xa6: {  	s25 =	simm.s32 $0x1B8E;
	s24 =	sld [smem:$0x3FFE];
	[sflag:s23] =	ssyncadd.s32 $0xFFFFFFFF  }
0xa7: {  	s26 =	simm.s32 $execute0_lowered;
	[smem:$0x3FD2] =	sst s25  }
0xa8: {  	s7 =	sshll.u32 s26, $0x1;
	_ =	strace $0x80000046;
	[dreg:$0x1] =	wrdreg $0xFFFFFFFF  }
0xa9: {  	s28 =	simm.s32 $_size_execute0_lowered;
	s5 =	sadd.s32 s5, s7;
	[dreg:$0x0] =	wrdreg $0x0  }
0xaa: {  	s7 =	sshll.u32 s28, $0x1;
	[dreg:$0x2] =	wrdreg s5  }
0xab: {  	[dreg:$0x3] =	wrdreg s7  }
0xac: {  	[dreg:$0x4] =	wrdreg $0xC0  }
0xad: {  	_ =	task [dreg:s9], $0x5FFFF  }
0xae: {  	[dreg:$0x1] =	wrdreg $0xFFFFFFFF  }
0xaf: {  	[dreg:$0x0] =	wrdreg $0x60  }
0xb0: {  	[dreg:$0x2] =	wrdreg s2  }
0xb1: {  	[dreg:$0x3] =	wrdreg s18  }
0xb2: {  	[dreg:$0x4] =	wrdreg s24  }
0xb3: {  	[dreg:$0x5] =	wrdreg s4  }
0xb4: {  	[dreg:$0x6] =	wrdreg $0x9  }
0xb5: {  	_ =	task.clear_ibuf [dreg:s9], $0x7FFFF;
	_ =	strace $0x90000046  }
0xb6: {  	s29 =	simm.s32 $0x9;
	_ =	strace $0x80000048  }
0xb7: {  	_ =	swait.ge [sflag:s29], $0x1  }
0xb8: {  	[sflag:s29] =	ssyncadd.s32 $0xFFFFFFFF  }
0xb9: {  	_ =	strace $0x90000048  }
0xba: {  	_ =	sfence  }
0xbb: {  	s30 =	sld [smem:$0x0];
	_ =	sdelay $0x2  }
0xbc: {  	s31 =	sshll.u32 s1, $0xD;
	s1 =	sshrl.u32 s1, $0x2  }
0xbd: {  	s3 =	sand.u32 $0x4000, s31;
	s1 =	sadd.s32 s1, s30  }
0xbe: {  	s0 =	sor.u32 s3, s0;
	s1 =	sshll.u32 s1, $0x11  }
0xbf: {  	s0 =	sor.u32 s1, s0  }
0xc0: {  	s0 =	sadd.s32 $0x8F2B, s0  }
0xc1: {  	[sflag:s0] =	ssyncadd.remote.s32 $0x1  }
0xc2: {  	_ =	sfence.sel $0xFFFF  }
0xc3: {  	[dreg:$0x0] =	wrdreg $0xFFFFFFFF;
	(pc) =	sbr.abs _section_cstart, $3  }
0xc4: {  	[dreg:$0x1] =	wrdreg $0xFFFFFFFF  }
0xc5: {  	_ =	task.clear_ibuf [dreg:s9], $0x2FFFF;
	_ =	strace $0x9FFFFFFF  }
0xc6: {  	(tm) =	ssettm $0x7FFFFFFF  }
0xc7: {  	_ =	shalt  }
tec
execute0_lowered:
.L_overlay_start_1:
0x0: {  	(tag) =	ssettag $0x1  }
0x1: {  	s1 =	rddreg [dreg:$0x0]  }
0x2: {  	s0 =	rddreg [dreg:$0x2];
	s5 =	simm.s32 $0x0  }
0x3: {  	[smem:$0x7FF] =	sst s5  }
0x4: {  	s4 =	rddreg [dreg:$0x3];
	s2 =	srdreg.scid;
	v0 =	vimm.f32 $1.500000000e+01;
	_ =	strace $0x80000047  }
0x5: {  	s3 =	stileid.u32;
	s14 =	simm.s32 $0x5;
	s15 =	simm.s32 $0x800;
	(erf) = vrcp.f32 v0  }
0x6: {  	s16 =	simm.s32 $0x980;
	s17 =	simm.s32 $0x6B80;
	s18 =	simm.s32 $0x1  }
0x7: {  	s19 =	simm.s32 $0x880;
	s2 =	sand.u32 $0x1, s2;
	s3 =	sshll.u32 s3, $0x1  }
0x8: {  	s20 =	simm.s32 $0xCD80;
	s21 =	simm.s32 $0x2;
	s3 =	sor.u32 s2, s3  }
0x9: {  	s22 =	simm.s32 $0x12F80;
	s23 =	simm.s32 $0x3;
	s6 =	smul.u32 $0x62000, s3  }
.Ltmp0:
0xa: {  	s24 =	simm.s32 $0x4;
	s31 =	ssub.s32 $0x2, s2;
	(pc) =	sbr.rel .LBB2_1-.Ltmp0, $4  }
0xb: {  	s25 =	simm.s32 $0x0;
	s7 =	sadd.s32 $0x400, s0;
	s2 =	sshrl.u32 s31, $0x1  }
0xc: {  	s0 =	ssub.s32 s31, s2;
	s8 =	sadd.s32 $0x6200, s6;
	s3 =	sshrl.u32 s6, $0x3  }
0xd: {  	s11 =	sadd.s32 $0xC400, s6;
	s12 =	sadd.s32 $0x12600, s6;
	s10 =	sshrl.u32 s8, $0x3  }
0xe: {  	s13 =	smax.u32 s0, $0x1;
	s9 =	sadd.s32 s1, s3;
	s10 =	sadd.s32 s1, s10;
	v0 =	vpop (erf)  }
.LBB2_8:
0xf: {  	s25 =	sadd.s32 $0x1, s25  }
0x10: {  	_ =	swait.ge [sflag:s23], $0x6200;
	p0 =	sne.s32 s25, s13  }
.Ltmp1:
0x11: {  	[sflag:s23] =	ssyncset.done $0x0;
	(pc) =	sbr.rel @!p0 .LBB2_9-.Ltmp1, $4  }
0x12: {  	[sflag:s23] =	ssyncadd.s32 $0xFFFF9E00  }
0x13: {  	_ =	swait.ge [sflag:s24], $0x6200  }
0x14: {  	[sflag:s24] =	ssyncset.done $0x0  }
0x15: {  	[sflag:s24] =	ssyncadd.s32 $0xFFFF9E00  }
.LBB2_1:
0x16: {  	s0 =	rddreg [dreg:$0x1]  }
0x17: {  	[tilespmem:s5], [sflag:$0x5] =	stream.linear.gather [hbm4b:s0+s5], $0x780, $0x38;
	[tilespmem:$0x19180] =	vst v63  }
0x18: {  	_ =	swait.ge [sflag:s14], $0x780  }
0x19: {  	[sflag:s14] =	ssyncset.done $0x0  }
0x1a: {  	[sflag:s14] =	ssyncadd.s32 $0xFFFFF880  }
0x1b: {  	[tilespmem:s15], [sflag:$0x5] =	stream.linear.gather [hbm4b:s7+s5], $0x80, $0x38;
	[tilespmem:$0x19180] =	vst v63  }
0x1c: {  	_ =	swait.ge [sflag:s14], $0x80  }
0x1d: {  	[sflag:s14] =	ssyncset.done $0x0  }
0x1e: {  	[sflag:s14] =	ssyncadd.s32 $0xFFFFFF80  }
0x1f: {  	v1 =	vld [tilespmem:$0x800]  }
0x20: {  	v2 =	vld [tilespmem:$0x0];
	_ =	sdelay $0x4  }
0x21: {  	v1 =	vmul.f32 $1.442695020e+00, v1;
	(xrf0) =	vmax.scan.msk.f32 $0xffff, v2;
	_ =	sdelay $0x1  }
0x22: {  	(erf) = vpow2.f32 v1;
	_ =	sdelay $0x3  }
0x23: {  	v1, _, _ =	vpop (xrf0)  }
0x24: {  	v1 =	vbroadcast v1, $0xF;
	_ =	sdelay $0x1  }
0x25: {  	v1 =	vsub.f32 v2, v1;
	_ =	sdelay $0x1  }
0x26: {  	v2 =	vpop (erf);
	v1 =	vmul.f32 $1.442695020e+00, v1  }
0x27: {  	(erf) = vrcp.f32 v2  }
0x28: {  	(erf) = vpow2.f32 v1;
	_ =	sdelay $0x7  }
0x29: {  	v1 =	vpop (erf)  }
0x2a: {  	v3 =	vpop (erf)  }
0x2b: {  	(xrf2) =	vadd.scan.msk.f32 $0xffff, v3;
	_ =	sdelay $0x9  }
0x2c: {  	v4, _, _ =	vpop (xrf2)  }
0x2d: {  	v4 =	vbroadcast v4, $0xF;
	_ =	sdelay $0x1  }
0x2e: {  	(erf) = vrcp.f32 v4;
	_ =	sdelay $0x8  }
0x2f: {  	v4 =	vpop (erf)  }
0x30: {  	v3 =	vmul.f32 v4, v3;
	_ =	sdelay $0x1  }
0x31: {  	(xrf2) =	vadd.scan.msk.f32 $0xffff, v3;
	_ =	sdelay $0x8  }
0x32: {  	v5 =	vld [tilespmem:$0x80]  }
0x33: {  	v52, _, _ =	vpop (xrf2)  }
0x34: {  	v4 =	vadd.f32 $0.0e+00, v52;
	_ =	sdelay $0x1  }
0x35: {  	(xrf0) =	vmax.scan.msk.f32 $0xffff, v4  }
0x36: {  	(xrf0) =	vmax.scan.msk.f32 $0xffff, v5;
	_ =	sdelay $0x4  }
0x37: {  	v6, _, _ =	vpop (xrf0)  }
0x38: {  	v7, _, _ =	vpop (xrf0)  }
0x39: {  	v7 =	vbroadcast v7, $0xF;
	_ =	sdelay $0x1  }
0x3a: {  	v5 =	vsub.f32 v5, v7;
	_ =	sdelay $0x1  }
0x3b: {  	v5 =	vmul.f32 $1.442695020e+00, v5;
	_ =	sdelay $0x1  }
0x3c: {  	(erf) = vpow2.f32 v5;
	_ =	sdelay $0x8  }
0x3d: {  	v5 =	vpop (erf)  }
0x3e: {  	(xrf2) =	vadd.scan.msk.f32 $0xffff, v5;
	_ =	sdelay $0x9  }
0x3f: {  	v53, _, _ =	vpop (xrf2)  }
0x40: {  	v7 =	vbroadcast v53, $0xF;
	_ =	sdelay $0x1  }
0x41: {  	(erf) = vrcp.f32 v7;
	_ =	sdelay $0x8  }
0x42: {  	v7 =	vpop (erf)  }
0x43: {  	v5 =	vmul.f32 v7, v5;
	_ =	sdelay $0x1  }
0x44: {  	(xrf2) =	vadd.scan.msk.f32 $0xffff, v5;
	_ =	sdelay $0x8  }
0x45: {  	v54 =	vld [tilespmem:$0x100];
	v6 =	vbroadcast v6, $0xF  }
0x46: {  	v8, _, _ =	vpop (xrf2)  }
0x47: {  	v6 =	vadd.f32 v6, v8;
	_ =	sdelay $0x1  }
0x48: {  	(xrf0) =	vmax.scan.msk.f32 $0xffff, v6  }
0x49: {  	(xrf0) =	vmax.scan.msk.f32 $0xffff, v54;
	_ =	sdelay $0x4  }
0x4a: {  	v55, _, _ =	vpop (xrf0)  }
0x4b: {  	v9, _, _ =	vpop (xrf0)  }
0x4c: {  	v9 =	vbroadcast v9, $0xF;
	_ =	sdelay $0x1  }
0x4d: {  	v7 =	vsub.f32 v54, v9;
	_ =	sdelay $0x1  }
0x4e: {  	v7 =	vmul.f32 $1.442695020e+00, v7;
	_ =	sdelay $0x1  }
0x4f: {  	(erf) = vpow2.f32 v7;
	_ =	sdelay $0x8  }
0x50: {  	v7 =	vpop (erf)  }
0x51: {  	(xrf2) =	vadd.scan.msk.f32 $0xffff, v7;
	_ =	sdelay $0x9  }
0x52: {  	v56, _, _ =	vpop (xrf2)  }
0x53: {  	v9 =	vbroadcast v56, $0xF;
	_ =	sdelay $0x1  }
0x54: {  	(erf) = vrcp.f32 v9;
	_ =	sdelay $0x8  }
0x55: {  	v9 =	vpop (erf)  }
0x56: {  	v7 =	vmul.f32 v9, v7;
	_ =	sdelay $0x1  }
0x57: {  	(xrf2) =	vadd.scan.msk.f32 $0xffff, v7;
	_ =	sdelay $0x8  }
0x58: {  	v57 =	vld [tilespmem:$0x180];
	v8 =	vbroadcast v55, $0xF  }
0x59: {  	v10, _, _ =	vpop (xrf2)  }
0x5a: {  	v8 =	vadd.f32 v8, v10;
	_ =	sdelay $0x1  }
0x5b: {  	(xrf0) =	vmax.scan.msk.f32 $0xffff, v8  }
0x5c: {  	(xrf0) =	vmax.scan.msk.f32 $0xffff, v57;
	_ =	sdelay $0x4  }
0x5d: {  	v58, _, _ =	vpop (xrf0)  }
0x5e: {  	v11, _, _ =	vpop (xrf0)  }
0x5f: {  	v11 =	vbroadcast v11, $0xF;
	_ =	sdelay $0x1  }
0x60: {  	v9 =	vsub.f32 v57, v11;
	_ =	sdelay $0x1  }
0x61: {  	v9 =	vmul.f32 $1.442695020e+00, v9;
	_ =	sdelay $0x1  }
0x62: {  	(erf) = vpow2.f32 v9;
	_ =	sdelay $0x8  }
0x63: {  	v9 =	vpop (erf)  }
0x64: {  	(xrf2) =	vadd.scan.msk.f32 $0xffff, v9;
	_ =	sdelay $0x9  }
0x65: {  	v59, _, _ =	vpop (xrf2)  }
0x66: {  	v11 =	vbroadcast v59, $0xF;
	_ =	sdelay $0x1  }
0x67: {  	(erf) = vrcp.f32 v11;
	_ =	sdelay $0x8  }
0x68: {  	v11 =	vpop (erf)  }
0x69: {  	v9 =	vmul.f32 v11, v9;
	_ =	sdelay $0x1  }
0x6a: {  	(xrf2) =	vadd.scan.msk.f32 $0xffff, v9;
	_ =	sdelay $0x8  }
0x6b: {  	v60 =	vld [tilespmem:$0x200];
	v10 =	vbroadcast v58, $0xF  }
0x6c: {  	v12, _, _ =	vpop (xrf2)  }
0x6d: {  	v10 =	vadd.f32 v10, v12;
	_ =	sdelay $0x1  }
0x6e: {  	(xrf0) =	vmax.scan.msk.f32 $0xffff, v10  }
0x6f: {  	(xrf0) =	vmax.scan.msk.f32 $0xffff, v60;
	_ =	sdelay $0x4  }
0x70: {  	v61, _, _ =	vpop (xrf0)  }
0x71: {  	v13, _, _ =	vpop (xrf0)  }
0x72: {  	v13 =	vbroadcast v13, $0xF;
	_ =	sdelay $0x1  }
0x73: {  	v11 =	vsub.f32 v60, v13;
	_ =	sdelay $0x1  }
0x74: {  	v11 =	vmul.f32 $1.442695020e+00, v11;
	_ =	sdelay $0x1  }
0x75: {  	(erf) = vpow2.f32 v11;
	_ =	sdelay $0x8  }
0x76: {  	v11 =	vpop (erf)  }
0x77: {  	(xrf2) =	vadd.scan.msk.f32 $0xffff, v11;
	_ =	sdelay $0x9  }
0x78: {  	v62, _, _ =	vpop (xrf2)  }
0x79: {  	v13 =	vbroadcast v62, $0xF;
	_ =	sdelay $0x1  }
0x7a: {  	(erf) = vrcp.f32 v13;
	_ =	sdelay $0x8  }
0x7b: {  	v13 =	vpop (erf)  }
0x7c: {  	v11 =	vmul.f32 v13, v11;
	_ =	sdelay $0x1  }
0x7d: {  	(xrf2) =	vadd.scan.msk.f32 $0xffff, v11;
	_ =	sdelay $0x8  }
0x7e: {  	v63 =	vld [tilespmem:$0x280];
	v12 =	vbroadcast v61, $0xF  }
0x7f: {  	v14, _, _ =	vpop (xrf2)  }
0x80: {  	v12 =	vadd.f32 v12, v14;
	_ =	sdelay $0x1  }
0x81: {  	(xrf0) =	vmax.scan.msk.f32 $0xffff, v12  }
0x82: {  	(xrf0) =	vmax.scan.msk.f32 $0xffff, v63;
	_ =	sdelay $0x4  }
0x83: {  	v18, _, _ =	vpop (xrf0)  }
0x84: {  	v15, _, _ =	vpop (xrf0)  }
0x85: {  	v15 =	vbroadcast v15, $0xF;
	_ =	sdelay $0x1  }
0x86: {  	v13 =	vsub.f32 v63, v15;
	_ =	sdelay $0x1  }
0x87: {  	v13 =	vmul.f32 $1.442695020e+00, v13;
	_ =	sdelay $0x1  }
0x88: {  	(erf) = vpow2.f32 v13;
	_ =	sdelay $0x8  }
0x89: {  	v13 =	vpop (erf)  }
0x8a: {  	(xrf2) =	vadd.scan.msk.f32 $0xffff, v13;
	_ =	sdelay $0x9  }
0x8b: {  	v19, _, _ =	vpop (xrf2)  }
0x8c: {  	v15 =	vbroadcast v19, $0xF;
	_ =	sdelay $0x1  }
0x8d: {  	(erf) = vrcp.f32 v15;
	_ =	sdelay $0x8  }
0x8e: {  	v15 =	vpop (erf)  }
0x8f: {  	v13 =	vmul.f32 v15, v13;
	_ =	sdelay $0x1  }
0x90: {  	(xrf2) =	vadd.scan.msk.f32 $0xffff, v13;
	_ =	sdelay $0x8  }
0x91: {  	v20 =	vld [tilespmem:$0x300];
	v14 =	vbroadcast v18, $0xF  }
0x92: {  	v16, _, _ =	vpop (xrf2)  }
0x93: {  	v14 =	vadd.f32 v14, v16;
	_ =	sdelay $0x1  }
0x94: {  	(xrf0) =	vmax.scan.msk.f32 $0xffff, v14  }
0x95: {  	(xrf0) =	vmax.scan.msk.f32 $0xffff, v20;
	_ =	sdelay $0x4  }
0x96: {  	v21, _, _ =	vpop (xrf0)  }
0x97: {  	v17, _, _ =	vpop (xrf0)  }
0x98: {  	v17 =	vbroadcast v17, $0xF;
	_ =	sdelay $0x1  }
0x99: {  	v15 =	vsub.f32 v20, v17;
	_ =	sdelay $0x1  }
0x9a: {  	v15 =	vmul.f32 $1.442695020e+00, v15;
	_ =	sdelay $0x1  }
0x9b: {  	(erf) = vpow2.f32 v15;
	_ =	sdelay $0x8  }
0x9c: {  	v15 =	vpop (erf)  }
0x9d: {  	(xrf2) =	vadd.scan.msk.f32 $0xffff, v15;
	_ =	sdelay $0x9  }
0x9e: {  	v22, _, _ =	vpop (xrf2)  }
0x9f: {  	v17 =	vbroadcast v22, $0xF;
	_ =	sdelay $0x1  }
0xa0: {  	(erf) = vrcp.f32 v17;
	_ =	sdelay $0x8  }
0xa1: {  	v17 =	vpop (erf)  }
0xa2: {  	v15 =	vmul.f32 v17, v15;
	_ =	sdelay $0x1  }
0xa3: {  	(xrf2) =	vadd.scan.msk.f32 $0xffff, v15;
	_ =	sdelay $0x8  }
0xa4: {  	v23 =	vld [tilespmem:$0x380];
	v16 =	vbroadcast v21, $0xF  }
0xa5: {  	v18, _, _ =	vpop (xrf2)  }
0xa6: {  	v16 =	vadd.f32 v16, v18;
	_ =	sdelay $0x1  }
0xa7: {  	(xrf0) =	vmax.scan.msk.f32 $0xffff, v16  }
0xa8: {  	(xrf0) =	vmax.scan.msk.f32 $0xffff, v23;
	_ =	sdelay $0x4  }
0xa9: {  	v24, _, _ =	vpop (xrf0)  }
0xaa: {  	v19, _, _ =	vpop (xrf0)  }
0xab: {  	v19 =	vbroadcast v19, $0xF;
	_ =	sdelay $0x1  }
0xac: {  	v17 =	vsub.f32 v23, v19;
	_ =	sdelay $0x1  }
0xad: {  	v17 =	vmul.f32 $1.442695020e+00, v17;
	_ =	sdelay $0x1  }
0xae: {  	(erf) = vpow2.f32 v17;
	_ =	sdelay $0x8  }
0xaf: {  	v17 =	vpop (erf)  }
0xb0: {  	(xrf2) =	vadd.scan.msk.f32 $0xffff, v17;
	_ =	sdelay $0x9  }
0xb1: {  	v25, _, _ =	vpop (xrf2)  }
0xb2: {  	v19 =	vbroadcast v25, $0xF;
	_ =	sdelay $0x1  }
0xb3: {  	(erf) = vrcp.f32 v19;
	_ =	sdelay $0x8  }
0xb4: {  	v19 =	vpop (erf)  }
0xb5: {  	v17 =	vmul.f32 v19, v17;
	_ =	sdelay $0x1  }
0xb6: {  	(xrf2) =	vadd.scan.msk.f32 $0xffff, v17;
	_ =	sdelay $0x8  }
0xb7: {  	v26 =	vld [tilespmem:$0x400];
	v18 =	vbroadcast v24, $0xF  }
0xb8: {  	v20, _, _ =	vpop (xrf2)  }
0xb9: {  	v18 =	vadd.f32 v18, v20;
	_ =	sdelay $0x1  }
0xba: {  	(xrf0) =	vmax.scan.msk.f32 $0xffff, v18  }
0xbb: {  	(xrf0) =	vmax.scan.msk.f32 $0xffff, v26;
	_ =	sdelay $0x4  }
0xbc: {  	v27, _, _ =	vpop (xrf0)  }
0xbd: {  	v21, _, _ =	vpop (xrf0)  }
0xbe: {  	v21 =	vbroadcast v21, $0xF;
	_ =	sdelay $0x1  }
0xbf: {  	v19 =	vsub.f32 v26, v21;
	_ =	sdelay $0x1  }
0xc0: {  	v19 =	vmul.f32 $1.442695020e+00, v19;
	_ =	sdelay $0x1  }
0xc1: {  	(erf) = vpow2.f32 v19;
	_ =	sdelay $0x8  }
0xc2: {  	v19 =	vpop (erf)  }
0xc3: {  	(xrf2) =	vadd.scan.msk.f32 $0xffff, v19;
	_ =	sdelay $0x9  }
0xc4: {  	v28, _, _ =	vpop (xrf2)  }
0xc5: {  	v21 =	vbroadcast v28, $0xF;
	_ =	sdelay $0x1  }
0xc6: {  	(erf) = vrcp.f32 v21;
	_ =	sdelay $0x8  }
0xc7: {  	v21 =	vpop (erf)  }
0xc8: {  	v19 =	vmul.f32 v21, v19;
	_ =	sdelay $0x1  }
0xc9: {  	(xrf2) =	vadd.scan.msk.f32 $0xffff, v19;
	_ =	sdelay $0x8  }
0xca: {  	v29 =	vld [tilespmem:$0x480];
	v20 =	vbroadcast v27, $0xF  }
0xcb: {  	v22, _, _ =	vpop (xrf2)  }
0xcc: {  	v20 =	vadd.f32 v20, v22;
	_ =	sdelay $0x1  }
0xcd: {  	(xrf0) =	vmax.scan.msk.f32 $0xffff, v20  }
0xce: {  	(xrf0) =	vmax.scan.msk.f32 $0xffff, v29;
	_ =	sdelay $0x4  }
0xcf: {  	v30, _, _ =	vpop (xrf0)  }
0xd0: {  	v23, _, _ =	vpop (xrf0)  }
0xd1: {  	v23 =	vbroadcast v23, $0xF;
	_ =	sdelay $0x1  }
0xd2: {  	v21 =	vsub.f32 v29, v23;
	_ =	sdelay $0x1  }
0xd3: {  	v21 =	vmul.f32 $1.442695020e+00, v21;
	_ =	sdelay $0x1  }
0xd4: {  	(erf) = vpow2.f32 v21;
	_ =	sdelay $0x8  }
0xd5: {  	v21 =	vpop (erf)  }
0xd6: {  	(xrf2) =	vadd.scan.msk.f32 $0xffff, v21;
	_ =	sdelay $0x9  }
0xd7: {  	v31, _, _ =	vpop (xrf2)  }
0xd8: {  	v23 =	vbroadcast v31, $0xF;
	_ =	sdelay $0x1  }
0xd9: {  	(erf) = vrcp.f32 v23;
	_ =	sdelay $0x8  }
0xda: {  	v23 =	vpop (erf)  }
0xdb: {  	v21 =	vmul.f32 v23, v21;
	_ =	sdelay $0x1  }
0xdc: {  	(xrf2) =	vadd.scan.msk.f32 $0xffff, v21;
	_ =	sdelay $0x8  }
0xdd: {  	v32 =	vld [tilespmem:$0x500];
	v22 =	vbroadcast v30, $0xF  }
0xde: {  	v24, _, _ =	vpop (xrf2)  }
0xdf: {  	v22 =	vadd.f32 v22, v24;
	_ =	sdelay $0x1  }
0xe0: {  	(xrf0) =	vmax.scan.msk.f32 $0xffff, v22  }
0xe1: {  	(xrf0) =	vmax.scan.msk.f32 $0xffff, v32;
	_ =	sdelay $0x4  }
0xe2: {  	v33, _, _ =	vpop (xrf0)  }
0xe3: {  	v25, _, _ =	vpop (xrf0)  }
0xe4: {  	v25 =	vbroadcast v25, $0xF;
	_ =	sdelay $0x1  }
0xe5: {  	v23 =	vsub.f32 v32, v25;
	_ =	sdelay $0x1  }
0xe6: {  	v23 =	vmul.f32 $1.442695020e+00, v23;
	_ =	sdelay $0x1  }
0xe7: {  	(erf) = vpow2.f32 v23;
	_ =	sdelay $0x8  }
0xe8: {  	v23 =	vpop (erf)  }
0xe9: {  	(xrf2) =	vadd.scan.msk.f32 $0xffff, v23;
	_ =	sdelay $0x9  }
0xea: {  	v34, _, _ =	vpop (xrf2)  }
0xeb: {  	v25 =	vbroadcast v34, $0xF;
	_ =	sdelay $0x1  }
0xec: {  	(erf) = vrcp.f32 v25;
	_ =	sdelay $0x8  }
0xed: {  	v25 =	vpop (erf)  }
0xee: {  	v23 =	vmul.f32 v25, v23;
	_ =	sdelay $0x1  }
0xef: {  	(xrf2) =	vadd.scan.msk.f32 $0xffff, v23;
	_ =	sdelay $0x8  }
0xf0: {  	v35 =	vld [tilespmem:$0x580];
	v24 =	vbroadcast v33, $0xF  }
0xf1: {  	v26, _, _ =	vpop (xrf2)  }
0xf2: {  	v24 =	vadd.f32 v24, v26;
	_ =	sdelay $0x1  }
0xf3: {  	(xrf0) =	vmax.scan.msk.f32 $0xffff, v24  }
0xf4: {  	(xrf0) =	vmax.scan.msk.f32 $0xffff, v35;
	_ =	sdelay $0x4  }
0xf5: {  	v36, _, _ =	vpop (xrf0)  }
0xf6: {  	v27, _, _ =	vpop (xrf0)  }
0xf7: {  	v27 =	vbroadcast v27, $0xF;
	_ =	sdelay $0x1  }
0xf8: {  	v25 =	vsub.f32 v35, v27;
	_ =	sdelay $0x1  }
0xf9: {  	v25 =	vmul.f32 $1.442695020e+00, v25;
	_ =	sdelay $0x1  }
0xfa: {  	(erf) = vpow2.f32 v25;
	_ =	sdelay $0x8  }
0xfb: {  	v25 =	vpop (erf)  }
0xfc: {  	(xrf2) =	vadd.scan.msk.f32 $0xffff, v25;
	_ =	sdelay $0x9  }
0xfd: {  	v37, _, _ =	vpop (xrf2)  }
0xfe: {  	v27 =	vbroadcast v37, $0xF;
	_ =	sdelay $0x1  }
0xff: {  	(erf) = vrcp.f32 v27;
	_ =	sdelay $0x8  }
0x100: {  	v27 =	vpop (erf)  }
0x101: {  	v25 =	vmul.f32 v27, v25;
	_ =	sdelay $0x1  }
0x102: {  	(xrf2) =	vadd.scan.msk.f32 $0xffff, v25;
	_ =	sdelay $0x8  }
0x103: {  	v38 =	vld [tilespmem:$0x600];
	v26 =	vbroadcast v36, $0xF  }
0x104: {  	v28, _, _ =	vpop (xrf2)  }
0x105: {  	v26 =	vadd.f32 v26, v28;
	_ =	sdelay $0x1  }
0x106: {  	(xrf0) =	vmax.scan.msk.f32 $0xffff, v26  }
0x107: {  	(xrf0) =	vmax.scan.msk.f32 $0xffff, v38;
	_ =	sdelay $0x4  }
0x108: {  	v39, _, _ =	vpop (xrf0)  }
0x109: {  	v29, _, _ =	vpop (xrf0)  }
0x10a: {  	v29 =	vbroadcast v29, $0xF;
	_ =	sdelay $0x1  }
0x10b: {  	v27 =	vsub.f32 v38, v29;
	_ =	sdelay $0x1  }
0x10c: {  	v27 =	vmul.f32 $1.442695020e+00, v27;
	_ =	sdelay $0x1  }
0x10d: {  	(erf) = vpow2.f32 v27;
	_ =	sdelay $0x8  }
0x10e: {  	v27 =	vpop (erf)  }
0x10f: {  	(xrf2) =	vadd.scan.msk.f32 $0xffff, v27;
	_ =	sdelay $0x9  }
0x110: {  	v40, _, _ =	vpop (xrf2)  }
0x111: {  	v29 =	vbroadcast v40, $0xF;
	_ =	sdelay $0x1  }
0x112: {  	(erf) = vrcp.f32 v29;
	_ =	sdelay $0x8  }
0x113: {  	v29 =	vpop (erf)  }
0x114: {  	v27 =	vmul.f32 v29, v27;
	_ =	sdelay $0x1  }
0x115: {  	(xrf2) =	vadd.scan.msk.f32 $0xffff, v27;
	_ =	sdelay $0x8  }
0x116: {  	v41 =	vld [tilespmem:$0x680];
	v28 =	vbroadcast v39, $0xF  }
0x117: {  	v30, _, _ =	vpop (xrf2)  }
0x118: {  	v28 =	vadd.f32 v28, v30;
	_ =	sdelay $0x1  }
0x119: {  	(xrf0) =	vmax.scan.msk.f32 $0xffff, v28  }
0x11a: {  	(xrf0) =	vmax.scan.msk.f32 $0xffff, v41;
	_ =	sdelay $0x4  }
0x11b: {  	v42, _, _ =	vpop (xrf0)  }
0x11c: {  	v31, _, _ =	vpop (xrf0)  }
0x11d: {  	v31 =	vbroadcast v31, $0xF;
	_ =	sdelay $0x1  }
0x11e: {  	v29 =	vsub.f32 v41, v31;
	_ =	sdelay $0x1  }
0x11f: {  	v29 =	vmul.f32 $1.442695020e+00, v29;
	_ =	sdelay $0x1  }
0x120: {  	(erf) = vpow2.f32 v29;
	_ =	sdelay $0x8  }
0x121: {  	v29 =	vpop (erf)  }
0x122: {  	(xrf2) =	vadd.scan.msk.f32 $0xffff, v29;
	_ =	sdelay $0x9  }
0x123: {  	v43, _, _ =	vpop (xrf2)  }
0x124: {  	v31 =	vbroadcast v43, $0xF;
	_ =	sdelay $0x1  }
0x125: {  	(erf) = vrcp.f32 v31;
	_ =	sdelay $0x8  }
0x126: {  	v31 =	vpop (erf)  }
0x127: {  	v29 =	vmul.f32 v31, v29;
	_ =	sdelay $0x1  }
0x128: {  	(xrf2) =	vadd.scan.msk.f32 $0xffff, v29;
	_ =	sdelay $0x8  }
0x129: {  	v44 =	vld [tilespmem:$0x700];
	v30 =	vbroadcast v42, $0xF  }
0x12a: {  	v32, _, _ =	vpop (xrf2)  }
0x12b: {  	v30 =	vadd.f32 v30, v32;
	_ =	sdelay $0x1  }
0x12c: {  	(xrf0) =	vmax.scan.msk.f32 $0xffff, v30  }
0x12d: {  	(xrf0) =	vmax.scan.msk.f32 $0xffff, v44;
	_ =	sdelay $0x4  }
0x12e: {  	v45, _, _ =	vpop (xrf0)  }
0x12f: {  	v33, _, _ =	vpop (xrf0)  }
0x130: {  	v33 =	vbroadcast v33, $0xF;
	_ =	sdelay $0x1  }
0x131: {  	v31 =	vsub.f32 v44, v33;
	_ =	sdelay $0x1  }
0x132: {  	v31 =	vmul.f32 $1.442695020e+00, v31;
	_ =	sdelay $0x1  }
0x133: {  	(erf) = vpow2.f32 v31;
	_ =	sdelay $0x8  }
0x134: {  	v31 =	vpop (erf)  }
0x135: {  	(xrf2) =	vadd.scan.msk.f32 $0xffff, v31;
	_ =	sdelay $0x9  }
0x136: {  	v46, _, _ =	vpop (xrf2)  }
0x137: {  	v33 =	vbroadcast v46, $0xF;
	_ =	sdelay $0x1  }
0x138: {  	(erf) = vrcp.f32 v33;
	_ =	sdelay $0x8  }
0x139: {  	v33 =	vpop (erf)  }
0x13a: {  	v31 =	vmul.f32 v33, v31;
	_ =	sdelay $0x1  }
0x13b: {  	(xrf2) =	vadd.scan.msk.f32 $0xffff, v31;
	_ =	sdelay $0x4  }
0x13c: {  	v2 =	vmul.f32 v2, v0;
	v3 =	vsub.f32 v4, v3  }
0x13d: {  	v47 =	vsub.f32 v6, v5  }
0x13e: {  	v3 =	vmul.f32 v3, v2;
	v48 =	vsub.f32 v8, v7  }
0x13f: {  	v4 =	vmul.f32 v47, v2;
	v49 =	vsub.f32 v10, v9  }
0x140: {  	[tilespmem:$0x880] =	vst v3;
	v5 =	vmul.f32 v48, v2;
	v3 =	vsub.f32 v12, v11;
	v50 =	vbroadcast v45, $0xF  }
0x141: {  	[tilespmem:$0x890] =	vst v4;
	v51 =	vmul.f32 v49, v2;
	v52 =	vsub.f32 v14, v13;
	v53, _, _ =	vpop (xrf2)  }
0x142: {  	[tilespmem:$0x8A0] =	vst v5;
	v3 =	vmul.f32 v3, v2;
	v54 =	vsub.f32 v16, v15;
	v7 =	vadd.f32 v50, v53  }
0x143: {  	[tilespmem:$0x8B0] =	vst v51;
	v6 =	vmul.f32 v52, v2;
	v55 =	vsub.f32 v18, v17  }
0x144: {  	[tilespmem:$0x8C0] =	vst v3;
	v5 =	vmul.f32 v54, v2;
	v3 =	vsub.f32 v20, v19;
	(xrf0) =	vmax.scan.msk.f32 $0xffff, v7  }
0x145: {  	[tilespmem:$0x8D0] =	vst v6;
	v4 =	vmul.f32 v55, v2;
	v56 =	vsub.f32 v22, v21  }
0x146: {  	[tilespmem:$0x8E0] =	vst v5;
	v3 =	vmul.f32 v3, v2;
	v57 =	vsub.f32 v24, v23  }
0x147: {  	[tilespmem:$0x8F0] =	vst v4;
	v6 =	vmul.f32 v56, v2;
	v58 =	vsub.f32 v26, v25  }
0x148: {  	[tilespmem:$0x900] =	vst v3;
	v5 =	vmul.f32 v57, v2;
	v3 =	vsub.f32 v28, v27  }
0x149: {  	[tilespmem:$0x910] =	vst v6;
	v4 =	vmul.f32 v58, v2;
	v59 =	vsub.f32 v30, v29  }
0x14a: {  	[tilespmem:$0x920] =	vst v5;
	v3 =	vmul.f32 v3, v2;
	v60 =	vsub.f32 v7, v31;
	v61, _, _ =	vpop (xrf0)  }
0x14b: {  	[tilespmem:$0x930] =	vst v4;
	v62 =	vmul.f32 v59, v2;
	v63 =	vbroadcast v61, $0xF  }
0x14c: {  	[tilespmem:$0x940] =	vst v3;
	v3 =	vmul.f32 v60, v2  }
0x14d: {  	[tilespmem:$0x950] =	vst v62;
	v2 =	vmul.f32 v63, v2  }
0x14e: {  	[tilespmem:$0x960] =	vst v3  }
0x14f: {  	[tilespmem:$0x970] =	vst v2  }
0x150: {  	[tilespmem:s16], [sflag:$0x1] =	stream.linear.gather [hbm4b:s9+s5], $0x6200, $0x38;
	[tilespmem:$0x19180] =	vst v63  }
0x151: {  	s26 =	simm.s32 $0x0;
	v1 =	vmul.f32 $2.400000000e+02, v1  }
0x152: {  	[tilespmem:s17], [sflag:$0x2] =	stream.linear.gather [hbm4b:s10+s5], $0x6200, $0x38;
	[tilespmem:$0x19180] =	vst v63  }
.LBB2_2:
0x153: {  	_ =	swait.ge [sflag:s18], $0x6200  }
0x154: {  	p0 =	seq.s32 s26, $0x0;
	[sflag:s18] =	ssyncset.done $0x0  }
0x155: {  	s0 =	simm.s32 @!p0 $0x3;
	[sflag:s18] =	ssyncadd.s32 $0xFFFF9E00  }
0x156: {  	_ =	swait.ge @!p0 [sflag:s0], $0x6200  }
0x157: {  	[sflag:s0] =	ssyncset.done @!p0 $0x0  }
0x158: {  	s3 =	simm.s32 $0xA00;
	[sflag:s0] =	ssyncadd.s32 @!p0 $0xFFFF9E00  }
0x159: {  	v2 =	vld [tilespmem:s3+$0xFFFFFF90]  }
0x15a: {  	v3 =	vld [tilespmem:s3+$0x10]  }
0x15b: {  	v4 =	vld [tilespmem:s3+$0x50]  }
0x15c: {  	v5 =	vld [tilespmem:s3+$0x60]  }
0x15d: {  	v7 =	vld [tilespmem:s3+$0x0]  }
0x15e: {  	v8 =	vld [tilespmem:s3+$0x40]  }
0x15f: {  	v9 =	vld [tilespmem:s3+$0x30]  }
0x160: {  	v10 =	vld [tilespmem:s3+$0xFFFFFF80]  }
0x161: {  	v12 =	vld [tilespmem:s3+$0x20]  }
0x162: {  	v6 =	vld [tilespmem:s3+$0xFFFFFFD0];
	v2 =	vmul.f32 v2, v1  }
0x163: {  	v13 =	vld [tilespmem:s3+$0xFFFFFFA0];
	v3 =	vmul.f32 v3, v1;
	v4 =	vmul.f32 v4, v1  }
0x164: {  	s2 =	simm.s32 $0xB00;
	v16 =	vld [tilespmem:s3+$0xFFFFFFB0];
	v5 =	vmul.f32 v5, v1;
	v7 =	vmul.f32 v7, v1  }
0x165: {  	v23 =	vld [tilespmem:s2+$0x60];
	v8 =	vmul.f32 v8, v1;
	v9 =	vmul.f32 v9, v1  }
0x166: {  	v10 =	vmul.f32 v10, v1;
	v12 =	vmul.f32 v12, v1  }
0x167: {  	v6 =	vmul.f32 v6, v1;
	v2 =	vadd.f32 $5.000000000e-01, v2;
	v3 =	vadd.f32 $5.000000000e-01, v3  }
0x168: {  	v13 =	vmul.f32 v13, v1;
	v4 =	vadd.f32 $5.000000000e-01, v4;
	v5 =	vadd.f32 $5.000000000e-01, v5  }
0x169: {  	v16 =	vmul.f32 v16, v1;
	v7 =	vadd.f32 $5.000000000e-01, v7;
	v9 =	vadd.f32 $5.000000000e-01, v9  }
0x16a: {  	v23 =	vmul.f32 v23, v1;
	v6 =	vadd.f32 $5.000000000e-01, v6;
	v12 =	vadd.f32 $5.000000000e-01, v12  }
0x16b: {  	v16 =	vadd.f32 $5.000000000e-01, v16;
	v2 =	vmax.f32 v2, $0.0e+00;
	v3 =	vmax.f32 v3, $0.0e+00  }
0x16c: {  	v4 =	vmax.f32 v4, $0.0e+00;
	v5 =	vmax.f32 v5, $0.0e+00;
	v7 =	vmax.f32 v7, $0.0e+00  }
0x16d: {  	v11 =	vld [tilespmem:s3+$0xFFFFFFE0];
	v9 =	vmax.f32 v9, $0.0e+00;
	v2 =	vmin.f32 v2, $2.408999940e+02;
	v4 =	vmin.f32 v4, $2.408999940e+02  }
0x16e: {  	v14 =	vld [tilespmem:s3+$0xFFFFFFF0];
	v3 =	vmin.f32 v3, $2.408999940e+02;
	v5 =	vmin.f32 v5, $2.408999940e+02;
	v2 =	vtrunc.f32 v2  }
0x16f: {  	v7 =	vmin.f32 v7, $2.408999940e+02;
	v4 =	vtrunc.f32 v4;
	v3 =	vtrunc.f32 v3  }
0x170: {  	v6 =	vmax.f32 v6, $0.0e+00;
	v5 =	vtrunc.f32 v5;
	v7 =	vtrunc.f32 v7  }
0x171: {  	v16 =	vmax.f32 v16, $0.0e+00;
	v2 =	vcvt.f32.s32 v2;
	v4 =	vcvt.f32.s32 v4  }
0x172: {  	v9 =	vmin.f32 v9, $2.408999940e+02;
	v15 =	vcvt.f32.s32 v5;
	v5 =	vmul.f32 v11, v1;
	v11 =	vld [tilespmem:s3+$0x70]  }
0x173: {  	v6 =	vmin.f32 v6, $2.408999940e+02;
	v17 =	vcvt.f32.s32 v7;
	v7 =	vmul.f32 v14, v1;
	v14 =	vld [tilespmem:s3+$0xFFFFFFC0]  }
0x174: {  	v16 =	vmin.f32 v16, $2.408999940e+02;
	v9 =	vtrunc.f32 v9;
	v6 =	vtrunc.f32 v6  }
0x175: {  	v20 =	vld [tilespmem:s2+$0xFFFFFFD0];
	v63 =	vtrunc.f32 v16;
	v5 =	vadd.f32 $5.000000000e-01, v5;
	v7 =	vadd.f32 $5.000000000e-01, v7  }
0x176: {  	v22 =	vld [tilespmem:s2+$0x50];
	v8 =	vadd.f32 $5.000000000e-01, v8;
	v9 =	vcvt.f32.s32 v9;
	v6 =	vcvt.f32.s32 v6  }
0x177: {  	v5 =	vmax.f32 v5, $0.0e+00;
	v7 =	vmax.f32 v7, $0.0e+00;
	v11 =	vmul.f32 v11, v1;
	v18 =	vld.idx.msk [tilespmem:v4+s19+$0x0], $0xffff  }
0x178: {  	v5 =	vmin.f32 v5, $2.408999940e+02;
	v14 =	vmul.f32 v14, v1;
	v4 =	vadd.f32 $5.000000000e-01, v13;
	v19 =	vld.idx.msk [tilespmem:v2+s19+$0x0], $0xffff  }
0x179: {  	v2 =	vmax.f32 v12, $0.0e+00;
	v12 =	vld [tilespmem:s2+$0x10];
	v24 =	vtrunc.f32 v5;
	v5 =	vmax.f32 v8, $0.0e+00  }
0x17a: {  	v13 =	vld [tilespmem:s2+$0xFFFFFF90];
	v11 =	vadd.f32 $5.000000000e-01, v11;
	v2 =	vmin.f32 v2, $2.408999940e+02;
	v14 =	vadd.f32 $5.000000000e-01, v14  }
0x17b: {  	v62 =	vld.idx.msk [tilespmem:v17+s19+$0x0], $0xffff;
	v5 =	vmin.f32 v5, $2.408999940e+02;
	v2 =	vtrunc.f32 v2;
	v4 =	vmax.f32 v4, $0.0e+00  }
0x17c: {  	v17 =	vld [tilespmem:s2+$0x30];
	v5 =	vtrunc.f32 v5;
	v11 =	vmax.f32 v11, $0.0e+00;
	v2 =	vcvt.f32.s32 v2  }
0x17d: {  	v21 =	vld [tilespmem:s2+$0x20];
	v4 =	vmin.f32 v4, $2.408999940e+02;
	v14 =	vmax.f32 v14, $0.0e+00;
	v29 =	vcvt.f32.s32 v5  }
0x17e: {  	v25 =	vld [tilespmem:s2+$0xFFFFFF80];
	v5 =	vmul.f32 v22, v1;
	v11 =	vmin.f32 v11, $2.408999940e+02;
	v8 =	vmul.f32 v12, v1  }
0x17f: {  	v26 =	vld [tilespmem:s2+$0xFFFFFFE0];
	v12 =	vtrunc.f32 v4;
	v4 =	vmin.f32 v7, $2.408999940e+02;
	v7 =	vmul.f32 v13, v1  }
0x180: {  	v30 =	vld [tilespmem:s2+$0x40];
	v22 =	vadd.f32 $5.000000000e-01, v23;
	v14 =	vmin.f32 v14, $2.408999940e+02;
	v11 =	vtrunc.f32 v11  }
0x181: {  	s30 =	simm.s32 $0xCE00;
	v9 =	vld.idx.msk [tilespmem:v9+s19+$0x0], $0xffff;
	v14 =	vtrunc.f32 v14;
	v16 =	vmul.f32 v17, v1;
	v28 =	vadd.f32 $5.000000000e-01, v7  }
0x182: {  	v13 =	vld [tilespmem:s2+$0x0];
	[tilespmem:s30+$0x50] =	vst v18;
	v18 =	vmax.f32 v22, $0.0e+00;
	v4 =	vtrunc.f32 v4;
	v12 =	vcvt.f32.s32 v12  }
0x183: {  	v6 =	vld.idx.msk [tilespmem:v6+s19+$0x0], $0xffff;
	v27 =	vcvt.f32.s32 v4;
	v4 =	vcvt.f32.s32 v3;
	v3 =	vmax.f32 v28, $0.0e+00  }
0x184: {  	v22 =	vmul.f32 v21, v1;
	v23 =	vld.idx.msk [tilespmem:v2+s19+$0x0], $0xffff;
	v2 =	vmin.f32 v3, $2.408999940e+02;
	v3 =	vadd.f32 $5.000000000e-01, v5  }
0x185: {  	v10 =	vadd.f32 $5.000000000e-01, v10;
	v32 =	vld.idx.msk [tilespmem:v15+s19+$0x0], $0xffff;
	v31 =	vcvt.f32.s32 v11;
	v2 =	vtrunc.f32 v2  }
0x186: {  	v21 =	vld [tilespmem:s2+$0x70];
	v8 =	vadd.f32 $5.000000000e-01, v8;
	v5 =	vcvt.f32.s32 v2;
	v2 =	vmax.f32 v3, $0.0e+00  }
0x187: {  	v7 =	vld [tilespmem:s2+$0xFFFFFFF0];
	v13 =	vmul.f32 v13, v1;
	v3 =	vcvt.f32.s32 v24;
	v2 =	vmin.f32 v2, $2.408999940e+02  }
0x188: {  	v18 =	vmin.f32 v18, $2.408999940e+02;
	v16 =	vadd.f32 $5.000000000e-01, v16;
	v24 =	vld [tilespmem:s2+$0xFFFFFFA0];
	v11 =	vtrunc.f32 v2  }
0x189: {  	[tilespmem:s30+$0x30] =	vst v9;
	v8 =	vmax.f32 v8, $0.0e+00;
	v12 =	vld.idx.msk [tilespmem:v12+s19+$0x0], $0xffff;
	v9 =	vadd.f32 $5.000000000e-01, v13;
	v15 =	vcvt.f32.s32 v11  }
0x18a: {  	v13 =	vtrunc.f32 v18;
	v18 =	vmul.f32 v25, v1;
	v25 =	vmax.f32 v16, $0.0e+00;
	v16 =	vld.idx.msk [tilespmem:v29+s19+$0x0], $0xffff  }
0x18b: {  	v10 =	vmax.f32 v10, $0.0e+00;
	[tilespmem:s30+$0xFFFFFF90] =	vst v19;
	v14 =	vcvt.f32.s32 v14;
	v8 =	vmin.f32 v8, $2.408999940e+02;
	v27 =	vld.idx.msk [tilespmem:v27+s19+$0x0], $0xffff  }
0x18c: {  	[tilespmem:s30+$0xFFFFFFD0] =	vst v6;
	v2 =	vtrunc.f32 v8;
	v8 =	vmin.f32 v10, $2.408999940e+02;
	v10 =	vmul.f32 v30, v1;
	v11 =	vld [tilespmem:s2+$0xFFFFFFB0]  }
0x18d: {  	s28 =	smul.u32 $0xC400, s26;
	[tilespmem:s30+$0x0] =	vst v62;
	v6 =	vmax.f32 v9, $0.0e+00;
	v17 =	vtrunc.f32 v8;
	v19 =	vmul.f32 v24, v1;
	v8 =	vld.idx.msk [tilespmem:v3+s19+$0x0], $0xffff  }
0x18e: {  	[tilespmem:s30+$0x60] =	vst v32;
	v6 =	vmin.f32 v6, $2.408999940e+02;
	v24 =	vmul.f32 v20, v1;
	v3 =	vcvt.f32.s32 v13;
	v13 =	vld.idx.msk [tilespmem:v31+s19+$0x0], $0xffff  }
0x18f: {  	s31 =	simm.s32 $0xCF00;
	s29 =	sadd.s32 s6, s28;
	[tilespmem:s30+$0x20] =	vst v23;
	v23 =	vmul.f32 v26, v1;
	v9 =	vadd.f32 $5.000000000e-01, v18;
	v6 =	vtrunc.f32 v6;
	v15 =	vld.idx.msk [tilespmem:v15+s19+$0x0], $0xffff  }
0x190: {  	s0 =	simm.s32 $0x100;
	s3 =	simm.s32 $0xCF00;
	v18 =	vcvt.f32.s32 v63;
	v20 =	vld [tilespmem:s2+$0xFFFFFFC0];
	v6 =	vcvt.f32.s32 v6;
	s2 =	simm.s32 $0xC00;
	[tilespmem:s30+$0xFFFFFFF0] =	vst v27;
	v24 =	vadd.f32 $5.000000000e-01, v24  }
.LBB2_3:
0x191: {  	s0 =	sadd.s32 $0x100, s0;
	v23 =	vadd.f32 $5.000000000e-01, v23;
	v7 =	vmul.f32 v7, v1;
	s3 =	sadd.s32 $0x100, s3;
	v17 =	vcvt.f32.s32 v17;
	v14 =	vld.idx.msk [tilespmem:v14+s19+$0x0], $0xffff  }
0x192: {  	v22 =	vadd.f32 $5.000000000e-01, v22;
	v25 =	vmin.f32 v25, $2.408999940e+02;
	v26 =	vld [tilespmem:s2+$0xFFFFFF90];
	p1 =	slt.u32 s0, $0x6100;
	v21 =	vmul.f32 v21, v1;
	[tilespmem:s30+$0xFFFFFFA0] =	vst v12  }
0x193: {  	v12 =	vld.idx.msk [tilespmem:v5+s19+$0x0], $0xffff;
	v5 =	vmul.f32 v11, v1;
	v11 =	vmax.f32 v23, $0.0e+00;
	v7 =	vadd.f32 $5.000000000e-01, v7;
	[tilespmem:s30+$0x70] =	vst v13  }
0x194: {  	v13 =	vadd.f32 $5.000000000e-01, v19;
	v19 =	vmax.f32 v24, $0.0e+00;
	[tilespmem:s31+$0x50] =	vst v15;
	v15 =	vadd.f32 $5.000000000e-01, v21;
	v4 =	vld.idx.msk [tilespmem:v4+s19+$0x0], $0xffff  }
0x195: {  	v19 =	vmin.f32 v19, $2.408999940e+02;
	v11 =	vmin.f32 v11, $2.408999940e+02;
	v21 =	vld [tilespmem:s2+$0x10];
	v5 =	vadd.f32 $5.000000000e-01, v5;
	[tilespmem:s30+$0x40] =	vst v16  }
0x196: {  	v10 =	vadd.f32 $5.000000000e-01, v10;
	v16 =	vmax.f32 v22, $0.0e+00;
	v22 =	vtrunc.f32 v25;
	v18 =	vld.idx.msk [tilespmem:v18+s19+$0x0], $0xffff  }
0x197: {  	v20 =	vmul.f32 v20, v1;
	v16 =	vmin.f32 v16, $2.408999940e+02;
	v22 =	vcvt.f32.s32 v22;
	v17 =	vld.idx.msk [tilespmem:v17+s19+$0x0], $0xffff;
	[tilespmem:s30+$0xFFFFFFC0] =	vst v14  }
0x198: {  	v15 =	vmax.f32 v15, $0.0e+00;
	v14 =	vtrunc.f32 v19;
	v16 =	vtrunc.f32 v16;
	v24 =	vld [tilespmem:s2+$0xFFFFFFD0]  }
0x199: {  	v13 =	vmax.f32 v13, $0.0e+00;
	v20 =	vadd.f32 $5.000000000e-01, v20;
	v16 =	vcvt.f32.s32 v16;
	v19 =	vld [tilespmem:s2+$0x20]  }
0x19a: {  	v7 =	vmax.f32 v7, $0.0e+00;
	v5 =	vmax.f32 v5, $0.0e+00;
	v14 =	vcvt.f32.s32 v14;
	v23 =	vld [tilespmem:s2+$0x50];
	[tilespmem:s30+$0x10] =	vst v4  }
0x19b: {  	v10 =	vmax.f32 v10, $0.0e+00;
	v11 =	vtrunc.f32 v11;
	v13 =	vmin.f32 v13, $2.408999940e+02;
	v4 =	vld [tilespmem:s2+$0x60];
	[tilespmem:s30+$0xFFFFFFE0] =	vst v8  }
0x19c: {  	v7 =	vmin.f32 v7, $2.408999940e+02;
	v13 =	vtrunc.f32 v13;
	v8 =	vmul.f32 v21, v1;
	v25 =	vld [tilespmem:s2+$0xFFFFFF80];
	[tilespmem:s30+$0xFFFFFFB0] =	vst v18  }
0x19d: {  	v9 =	vmax.f32 v9, $0.0e+00;
	v10 =	vmin.f32 v10, $2.408999940e+02;
	v7 =	vtrunc.f32 v7;
	v18 =	vld [tilespmem:s2+$0xFFFFFFE0];
	[tilespmem:s30+$0xFFFFFF80] =	vst v17;
	s30 =	smov.u32 s31;
	s31 =	smov.u32 s3  }
0x19e: {  	v10 =	vtrunc.f32 v10;
	v17 =	vmul.f32 v26, v1;
	v8 =	vadd.f32 $5.000000000e-01, v8;
	v21 =	vld [tilespmem:s2+$0x0]  }
0x19f: {  	v15 =	vmin.f32 v15, $2.408999940e+02;
	v20 =	vmax.f32 v20, $0.0e+00;
	v26 =	vcvt.f32.s32 v7;
	v22 =	vld.idx.msk [tilespmem:v22+s19+$0x0], $0xffff  }
0x1a0: {  	v28 =	vcvt.f32.s32 v10;
	v17 =	vadd.f32 $5.000000000e-01, v17;
	v7 =	vld [tilespmem:s2+$0xFFFFFFF0];
	v27 =	vmul.f32 v4, v1  }
0x1a1: {  	v8 =	vmax.f32 v8, $0.0e+00;
	v23 =	vmul.f32 v23, v1;
	v4 =	vcvt.f32.s32 v2;
	v10 =	vld [tilespmem:s2+$0x40]  }
0x1a2: {  	v13 =	vcvt.f32.s32 v13;
	v2 =	vmax.f32 v17, $0.0e+00;
	v17 =	vadd.f32 $5.000000000e-01, v27;
	v16 =	vld.idx.msk [tilespmem:v16+s19+$0x0], $0xffff  }
0x1a3: {  	v15 =	vtrunc.f32 v15;
	v23 =	vadd.f32 $5.000000000e-01, v23;
	v2 =	vmin.f32 v2, $2.408999940e+02;
	v14 =	vld.idx.msk [tilespmem:v14+s19+$0x0], $0xffff  }
0x1a4: {  	v20 =	vmin.f32 v20, $2.408999940e+02;
	v27 =	vmin.f32 v5, $2.408999940e+02;
	v2 =	vtrunc.f32 v2;
	v6 =	vld.idx.msk [tilespmem:v6+s19+$0x0], $0xffff  }
0x1a5: {  	v5 =	vcvt.f32.s32 v2;
	v2 =	vmax.f32 v23, $0.0e+00;
	v23 =	vcvt.f32.s32 v11;
	v29 =	vld [tilespmem:s2+$0x30];
	[tilespmem:s30+$0xFFFFFF90] =	vst v12  }
0x1a6: {  	v15 =	vcvt.f32.s32 v15;
	v21 =	vmul.f32 v21, v1;
	v2 =	vmin.f32 v2, $2.408999940e+02;
	v30 =	vld [tilespmem:s2+$0xFFFFFFA0];
	[tilespmem:s30+$0x30] =	vst v22  }
0x1a7: {  	v20 =	vtrunc.f32 v20;
	v8 =	vmin.f32 v8, $2.408999940e+02;
	v11 =	vtrunc.f32 v2;
	v31 =	vld.idx.msk [tilespmem:v3+s19+$0x0], $0xffff  }
0x1a8: {  	v2 =	vtrunc.f32 v8;
	v32 =	vcvt.f32.s32 v11;
	v3 =	vmin.f32 v9, $2.408999940e+02;
	v26 =	vld.idx.msk [tilespmem:v26+s19+$0x0], $0xffff;
	[tilespmem:s30+$0x20] =	vst v16  }
0x1a9: {  	v27 =	vtrunc.f32 v27;
	v10 =	vmul.f32 v10, v1;
	v8 =	vmax.f32 v17, $0.0e+00;
	v11 =	vld [tilespmem:s2+$0xFFFFFFB0];
	[tilespmem:s30+$0xFFFFFFD0] =	vst v14  }
0x1aa: {  	v8 =	vmin.f32 v8, $2.408999940e+02;
	v17 =	vtrunc.f32 v3;
	v9 =	vmul.f32 v29, v1;
	v12 =	vld.idx.msk [tilespmem:v13+s19+$0x0], $0xffff;
	[tilespmem:s30+$0x0] =	vst v6  }
0x1ab: {  	v3 =	vtrunc.f32 v8;
	v14 =	vcvt.f32.s32 v20;
	v6 =	vadd.f32 $5.000000000e-01, v21;
	v8 =	vld.idx.msk [tilespmem:v23+s19+$0x0], $0xffff  }
.Ltmp2:
0x1ac: {  	v16 =	vmul.f32 v25, v1;
	v3 =	vcvt.f32.s32 v3;
	v20 =	vadd.f32 $5.000000000e-01, v9;
	v13 =	vld.idx.msk [tilespmem:v15+s19+$0x0], $0xffff;
	(pc) =	sbr.rel @p1 .LBB2_3-.Ltmp2, $4  }
0x1ad: {  	v22 =	vmul.f32 v19, v1;
	v23 =	vmul.f32 v18, v1;
	v6 =	vmax.f32 v6, $0.0e+00;
	v21 =	vld [tilespmem:s2+$0x70];
	[tilespmem:s30+$0x60] =	vst v31  }
0x1ae: {  	v19 =	vmul.f32 v30, v1;
	v18 =	vmul.f32 v24, v1;
	v6 =	vmin.f32 v6, $2.408999940e+02;
	v15 =	vld.idx.msk [tilespmem:v32+s19+$0x0], $0xffff  }
0x1af: {  	v9 =	vadd.f32 $5.000000000e-01, v16;
	v6 =	vtrunc.f32 v6;
	v25 =	vmax.f32 v20, $0.0e+00;
	[tilespmem:s30+$0xFFFFFFF0] =	vst v26;
	v16 =	vld.idx.msk [tilespmem:v28+s19+$0x0], $0xffff  }
0x1b0: {  	v24 =	vadd.f32 $5.000000000e-01, v18;
	v18 =	vcvt.f32.s32 v27;
	v6 =	vcvt.f32.s32 v6;
	v20 =	vld [tilespmem:s2+$0xFFFFFFC0];
	s2 =	sadd.s32 $0x100, s2  }
0x1b1: {  	v23 =	vadd.f32 $5.000000000e-01, v23;
	v7 =	vmul.f32 v7, v1;
	v17 =	vcvt.f32.s32 v17  }
0x1b2: {  	v22 =	vadd.f32 $5.000000000e-01, v22;
	v25 =	vmin.f32 v25, $2.408999940e+02;
	v11 =	vmul.f32 v11, v1  }
0x1b3: {  	v19 =	vadd.f32 $5.000000000e-01, v19;
	v10 =	vadd.f32 $5.000000000e-01, v10;
	v9 =	vmax.f32 v9, $0.0e+00  }
0x1b4: {  	v2 =	vcvt.f32.s32 v2;
	v21 =	vmul.f32 v21, v1;
	v24 =	vmax.f32 v24, $0.0e+00  }
0x1b5: {  	v25 =	vtrunc.f32 v25;
	v9 =	vmin.f32 v9, $2.408999940e+02;
	v23 =	vmax.f32 v23, $0.0e+00  }
0x1b6: {  	v7 =	vadd.f32 $5.000000000e-01, v7;
	v11 =	vadd.f32 $5.000000000e-01, v11;
	v24 =	vmin.f32 v24, $2.408999940e+02  }
0x1b7: {  	[tilespmem:s30+$0x70] =	vst v13;
	v22 =	vmax.f32 v22, $0.0e+00;
	v25 =	vcvt.f32.s32 v25;
	v13 =	vmax.f32 v19, $0.0e+00  }
0x1b8: {  	v14 =	vld.idx.msk [tilespmem:v14+s19+$0x0], $0xffff;
	v10 =	vmax.f32 v10, $0.0e+00;
	v9 =	vtrunc.f32 v9;
	v21 =	vadd.f32 $5.000000000e-01, v21  }
0x1b9: {  	[tilespmem:s30+$0xFFFFFFA0] =	vst v12;
	v4 =	vld.idx.msk [tilespmem:v4+s19+$0x0], $0xffff;
	v22 =	vmin.f32 v22, $2.408999940e+02;
	v12 =	vtrunc.f32 v24;
	v20 =	vmul.f32 v20, v1  }
0x1ba: {  	v5 =	vld.idx.msk [tilespmem:v5+s19+$0x0], $0xffff;
	[tilespmem:s30+$0xFFFFFFE0] =	vst v8;
	v10 =	vmin.f32 v10, $2.408999940e+02;
	v22 =	vtrunc.f32 v22;
	v12 =	vcvt.f32.s32 v12  }
0x1bb: {  	v3 =	vld.idx.msk [tilespmem:v3+s19+$0x0], $0xffff;
	[tilespmem:s31+$0x50] =	vst v15;
	v7 =	vmax.f32 v7, $0.0e+00;
	v8 =	vtrunc.f32 v10;
	v22 =	vcvt.f32.s32 v22  }
0x1bc: {  	v6 =	vld.idx.msk [tilespmem:v6+s19+$0x0], $0xffff;
	[tilespmem:s30+$0x40] =	vst v16;
	v21 =	vmax.f32 v21, $0.0e+00;
	v7 =	vmin.f32 v7, $2.408999940e+02;
	v8 =	vcvt.f32.s32 v8  }
0x1bd: {  	v15 =	vld.idx.msk [tilespmem:v18+s19+$0x0], $0xffff;
	[tilespmem:s30+$0xFFFFFFC0] =	vst v14;
	v18 =	vadd.f32 $5.000000000e-01, v20;
	v7 =	vtrunc.f32 v7;
	v14 =	vmin.f32 v21, $2.408999940e+02  }
0x1be: {  	v13 =	vmin.f32 v13, $2.408999940e+02;
	[tilespmem:s30+$0x10] =	vst v4;
	v16 =	vld.idx.msk [tilespmem:v17+s19+$0x0], $0xffff;
	v7 =	vcvt.f32.s32 v7;
	v14 =	vtrunc.f32 v14  }
0x1bf: {  	v13 =	vtrunc.f32 v13;
	[tilespmem:s31+$0xFFFFFF90] =	vst v5;
	v2 =	vld.idx.msk [tilespmem:v2+s19+$0x0], $0xffff;
	v4 =	vmax.f32 v18, $0.0e+00;
	v14 =	vcvt.f32.s32 v14  }
0x1c0: {  	v9 =	vcvt.f32.s32 v9;
	v13 =	vcvt.f32.s32 v13;
	[tilespmem:s31+$0x60] =	vst v3;
	v4 =	vmin.f32 v4, $2.408999940e+02;
	v12 =	vld.idx.msk [tilespmem:v12+s19+$0x0], $0xffff  }
0x1c1: {  	v11 =	vmax.f32 v11, $0.0e+00;
	[tilespmem:s31+$0x0] =	vst v6;
	v18 =	vmin.f32 v23, $2.408999940e+02;
	v4 =	vtrunc.f32 v4;
	v10 =	vld.idx.msk [tilespmem:v22+s19+$0x0], $0xffff  }
0x1c2: {  	v11 =	vmin.f32 v11, $2.408999940e+02;
	[tilespmem:s30+$0xFFFFFFB0] =	vst v15;
	v15 =	vtrunc.f32 v18;
	v4 =	vcvt.f32.s32 v4;
	v6 =	vld.idx.msk [tilespmem:v8+s19+$0x0], $0xffff  }
0x1c3: {  	v11 =	vtrunc.f32 v11;
	v17 =	vld.idx.msk [tilespmem:v25+s19+$0x0], $0xffff;
	v5 =	vcvt.f32.s32 v15;
	[tilespmem:s30+$0xFFFFFF80] =	vst v16  }
0x1c4: {  	v11 =	vcvt.f32.s32 v11;
	[tilespmem:s31+$0x10] =	vst v2;
	v7 =	vld.idx.msk [tilespmem:v7+s19+$0x0], $0xffff  }
0x1c5: {  	[tilespmem:s31+$0xFFFFFFD0] =	vst v12;
	v12 =	vld.idx.msk [tilespmem:v14+s19+$0x0], $0xffff  }
0x1c6: {  	[tilespmem:s31+$0x20] =	vst v10;
	v10 =	vld.idx.msk [tilespmem:v13+s19+$0x0], $0xffff  }
0x1c7: {  	[tilespmem:s31+$0x40] =	vst v6;
	v6 =	vld.idx.msk [tilespmem:v9+s19+$0x0], $0xffff  }
0x1c8: {  	[tilespmem:s31+$0x30] =	vst v17;
	v3 =	vld.idx.msk [tilespmem:v4+s19+$0x0], $0xffff  }
0x1c9: {  	v4 =	vld.idx.msk [tilespmem:v5+s19+$0x0], $0xffff;
	[tilespmem:s31+$0xFFFFFFF0] =	vst v7  }
0x1ca: {  	v5 =	vld.idx.msk [tilespmem:v11+s19+$0x0], $0xffff;
	[tilespmem:s31+$0x70] =	vst v12  }
0x1cb: {  	[tilespmem:s31+$0xFFFFFFA0] =	vst v10  }
0x1cc: {  	[tilespmem:s31+$0xFFFFFF80] =	vst v6  }
0x1cd: {  	[tilespmem:s31+$0xFFFFFFC0] =	vst v3  }
0x1ce: {  	s0 =	sshrl.u32 s29, $0x3;
	[tilespmem:s31+$0xFFFFFFE0] =	vst v4  }
0x1cf: {  	p1 =	seq.s32 s26, $0x7;
	s0 =	sadd.s32 s4, s0;
	[tilespmem:s31+$0xFFFFFFB0] =	vst v5  }
0x1d0: {  	[hbm4b:s0+s5] =	stream.linear.scatter [tilespmem:s20], [sflag:$0x3], $0x6200, $0x38;
	[tilespmem:$0x19180] =	vst v63  }
0x1d1: {  	s0 =	sadd.s32 @!p1 s28, s11  }
0x1d2: {  	s0 =	sshrl.u32 @!p1 s0, $0x3  }
0x1d3: {  	s2 =	simm.s32 @!p1 $0x0;
	s3 =	simm.s32 @!p1 $0x980;
	s0 =	sadd.s32 @!p1 s1, s0  }
0x1d4: {  	[tilespmem:s3], [sflag:$0x1] =	stream.linear.gather @!p1 [hbm4b:s0+s2], $0x6200, $0x38;
	[tilespmem:$0x19180] =	vst v63  }
0x1d5: {  	_ =	swait.ge [sflag:s21], $0x6200  }
0x1d6: {  	[sflag:s21] =	ssyncset.done $0x0  }
0x1d7: {  	s0 =	simm.s32 @!p0 $0x4;
	[sflag:s21] =	ssyncadd.s32 $0xFFFF9E00  }
0x1d8: {  	_ =	swait.ge @!p0 [sflag:s0], $0x6200  }
0x1d9: {  	[sflag:s0] =	ssyncset.done @!p0 $0x0  }
0x1da: {  	s3 =	simm.s32 $0x6C00;
	[sflag:s0] =	ssyncadd.s32 @!p0 $0xFFFF9E00  }
0x1db: {  	v2 =	vld [tilespmem:s3+$0xFFFFFF90]  }
0x1dc: {  	v3 =	vld [tilespmem:s3+$0x10]  }
0x1dd: {  	v4 =	vld [tilespmem:s3+$0x50]  }
0x1de: {  	v5 =	vld [tilespmem:s3+$0x60]  }
0x1df: {  	v7 =	vld [tilespmem:s3+$0x0]  }
0x1e0: {  	v8 =	vld [tilespmem:s3+$0x40]  }
0x1e1: {  	v9 =	vld [tilespmem:s3+$0x30]  }
0x1e2: {  	v10 =	vld [tilespmem:s3+$0xFFFFFF80]  }
0x1e3: {  	v12 =	vld [tilespmem:s3+$0x20]  }
0x1e4: {  	v6 =	vld [tilespmem:s3+$0xFFFFFFD0];
	v2 =	vmul.f32 v2, v1  }
0x1e5: {  	v13 =	vld [tilespmem:s3+$0xFFFFFFA0];
	v3 =	vmul.f32 v3, v1;
	v4 =	vmul.f32 v4, v1  }
0x1e6: {  	s2 =	simm.s32 $0x6D00;
	v16 =	vld [tilespmem:s3+$0xFFFFFFB0];
	v5 =	vmul.f32 v5, v1;
	v7 =	vmul.f32 v7, v1  }
0x1e7: {  	v23 =	vld [tilespmem:s2+$0x60];
	v8 =	vmul.f32 v8, v1;
	v9 =	vmul.f32 v9, v1  }
0x1e8: {  	v10 =	vmul.f32 v10, v1;
	v12 =	vmul.f32 v12, v1  }
0x1e9: {  	v6 =	vmul.f32 v6, v1;
	v2 =	vadd.f32 $5.000000000e-01, v2;
	v3 =	vadd.f32 $5.000000000e-01, v3  }
0x1ea: {  	v13 =	vmul.f32 v13, v1;
	v4 =	vadd.f32 $5.000000000e-01, v4;
	v5 =	vadd.f32 $5.000000000e-01, v5  }
0x1eb: {  	v16 =	vmul.f32 v16, v1;
	v7 =	vadd.f32 $5.000000000e-01, v7;
	v9 =	vadd.f32 $5.000000000e-01, v9  }
0x1ec: {  	v23 =	vmul.f32 v23, v1;
	v6 =	vadd.f32 $5.000000000e-01, v6;
	v12 =	vadd.f32 $5.000000000e-01, v12  }
0x1ed: {  	v16 =	vadd.f32 $5.000000000e-01, v16;
	v2 =	vmax.f32 v2, $0.0e+00;
	v3 =	vmax.f32 v3, $0.0e+00  }
0x1ee: {  	v4 =	vmax.f32 v4, $0.0e+00;
	v5 =	vmax.f32 v5, $0.0e+00;
	v7 =	vmax.f32 v7, $0.0e+00  }
0x1ef: {  	v11 =	vld [tilespmem:s3+$0xFFFFFFE0];
	v9 =	vmax.f32 v9, $0.0e+00;
	v2 =	vmin.f32 v2, $2.408999940e+02;
	v4 =	vmin.f32 v4, $2.408999940e+02  }
0x1f0: {  	v14 =	vld [tilespmem:s3+$0xFFFFFFF0];
	v3 =	vmin.f32 v3, $2.408999940e+02;
	v5 =	vmin.f32 v5, $2.408999940e+02;
	v2 =	vtrunc.f32 v2  }
0x1f1: {  	v7 =	vmin.f32 v7, $2.408999940e+02;
	v4 =	vtrunc.f32 v4;
	v3 =	vtrunc.f32 v3  }
0x1f2: {  	v6 =	vmax.f32 v6, $0.0e+00;
	v5 =	vtrunc.f32 v5;
	v7 =	vtrunc.f32 v7  }
0x1f3: {  	v16 =	vmax.f32 v16, $0.0e+00;
	v2 =	vcvt.f32.s32 v2;
	v4 =	vcvt.f32.s32 v4  }
0x1f4: {  	v9 =	vmin.f32 v9, $2.408999940e+02;
	v15 =	vcvt.f32.s32 v5;
	v5 =	vmul.f32 v11, v1;
	v11 =	vld [tilespmem:s3+$0x70]  }
0x1f5: {  	v6 =	vmin.f32 v6, $2.408999940e+02;
	v17 =	vcvt.f32.s32 v7;
	v7 =	vmul.f32 v14, v1;
	v14 =	vld [tilespmem:s3+$0xFFFFFFC0]  }
0x1f6: {  	v16 =	vmin.f32 v16, $2.408999940e+02;
	v9 =	vtrunc.f32 v9;
	v6 =	vtrunc.f32 v6  }
0x1f7: {  	v20 =	vld [tilespmem:s2+$0xFFFFFFD0];
	v63 =	vtrunc.f32 v16;
	v5 =	vadd.f32 $5.000000000e-01, v5;
	v7 =	vadd.f32 $5.000000000e-01, v7  }
0x1f8: {  	v22 =	vld [tilespmem:s2+$0x50];
	v8 =	vadd.f32 $5.000000000e-01, v8;
	v9 =	vcvt.f32.s32 v9;
	v6 =	vcvt.f32.s32 v6  }
0x1f9: {  	v5 =	vmax.f32 v5, $0.0e+00;
	v7 =	vmax.f32 v7, $0.0e+00;
	v11 =	vmul.f32 v11, v1;
	v18 =	vld.idx.msk [tilespmem:v4+s19+$0x0], $0xffff  }
0x1fa: {  	v5 =	vmin.f32 v5, $2.408999940e+02;
	v14 =	vmul.f32 v14, v1;
	v4 =	vadd.f32 $5.000000000e-01, v13;
	v19 =	vld.idx.msk [tilespmem:v2+s19+$0x0], $0xffff  }
0x1fb: {  	v2 =	vmax.f32 v12, $0.0e+00;
	v12 =	vld [tilespmem:s2+$0x10];
	v24 =	vtrunc.f32 v5;
	v5 =	vmax.f32 v8, $0.0e+00  }
0x1fc: {  	v13 =	vld [tilespmem:s2+$0xFFFFFF90];
	v11 =	vadd.f32 $5.000000000e-01, v11;
	v2 =	vmin.f32 v2, $2.408999940e+02;
	v14 =	vadd.f32 $5.000000000e-01, v14  }
0x1fd: {  	v62 =	vld.idx.msk [tilespmem:v17+s19+$0x0], $0xffff;
	v5 =	vmin.f32 v5, $2.408999940e+02;
	v2 =	vtrunc.f32 v2;
	v4 =	vmax.f32 v4, $0.0e+00  }
0x1fe: {  	v17 =	vld [tilespmem:s2+$0x30];
	v5 =	vtrunc.f32 v5;
	v11 =	vmax.f32 v11, $0.0e+00;
	v2 =	vcvt.f32.s32 v2  }
0x1ff: {  	v21 =	vld [tilespmem:s2+$0x20];
	v4 =	vmin.f32 v4, $2.408999940e+02;
	v14 =	vmax.f32 v14, $0.0e+00;
	v29 =	vcvt.f32.s32 v5  }
0x200: {  	v25 =	vld [tilespmem:s2+$0xFFFFFF80];
	v5 =	vmul.f32 v22, v1;
	v11 =	vmin.f32 v11, $2.408999940e+02;
	v8 =	vmul.f32 v12, v1  }
0x201: {  	v26 =	vld [tilespmem:s2+$0xFFFFFFE0];
	v12 =	vtrunc.f32 v4;
	v4 =	vmin.f32 v7, $2.408999940e+02;
	v7 =	vmul.f32 v13, v1  }
0x202: {  	v30 =	vld [tilespmem:s2+$0x40];
	v22 =	vadd.f32 $5.000000000e-01, v23;
	v14 =	vmin.f32 v14, $2.408999940e+02;
	v11 =	vtrunc.f32 v11  }
0x203: {  	s30 =	simm.s32 $0x13000;
	v9 =	vld.idx.msk [tilespmem:v9+s19+$0x0], $0xffff;
	v14 =	vtrunc.f32 v14;
	v16 =	vmul.f32 v17, v1;
	v28 =	vadd.f32 $5.000000000e-01, v7  }
0x204: {  	v13 =	vld [tilespmem:s2+$0x0];
	[tilespmem:s30+$0x50] =	vst v18;
	v18 =	vmax.f32 v22, $0.0e+00;
	v4 =	vtrunc.f32 v4;
	v12 =	vcvt.f32.s32 v12  }
0x205: {  	v6 =	vld.idx.msk [tilespmem:v6+s19+$0x0], $0xffff;
	v27 =	vcvt.f32.s32 v4;
	v4 =	vcvt.f32.s32 v3;
	v3 =	vmax.f32 v28, $0.0e+00  }
0x206: {  	v22 =	vmul.f32 v21, v1;
	v23 =	vld.idx.msk [tilespmem:v2+s19+$0x0], $0xffff;
	v2 =	vmin.f32 v3, $2.408999940e+02;
	v3 =	vadd.f32 $5.000000000e-01, v5  }
0x207: {  	v10 =	vadd.f32 $5.000000000e-01, v10;
	v32 =	vld.idx.msk [tilespmem:v15+s19+$0x0], $0xffff;
	v31 =	vcvt.f32.s32 v11;
	v2 =	vtrunc.f32 v2  }
0x208: {  	v21 =	vld [tilespmem:s2+$0x70];
	v8 =	vadd.f32 $5.000000000e-01, v8;
	v5 =	vcvt.f32.s32 v2;
	v2 =	vmax.f32 v3, $0.0e+00  }
0x209: {  	v7 =	vld [tilespmem:s2+$0xFFFFFFF0];
	v13 =	vmul.f32 v13, v1;
	v3 =	vcvt.f32.s32 v24;
	v2 =	vmin.f32 v2, $2.408999940e+02  }
0x20a: {  	v18 =	vmin.f32 v18, $2.408999940e+02;
	v16 =	vadd.f32 $5.000000000e-01, v16;
	v24 =	vld [tilespmem:s2+$0xFFFFFFA0];
	v11 =	vtrunc.f32 v2  }
0x20b: {  	[tilespmem:s30+$0x30] =	vst v9;
	v8 =	vmax.f32 v8, $0.0e+00;
	v12 =	vld.idx.msk [tilespmem:v12+s19+$0x0], $0xffff;
	v9 =	vadd.f32 $5.000000000e-01, v13;
	v15 =	vcvt.f32.s32 v11  }
0x20c: {  	v13 =	vtrunc.f32 v18;
	v18 =	vmul.f32 v25, v1;
	v25 =	vmax.f32 v16, $0.0e+00;
	v16 =	vld.idx.msk [tilespmem:v29+s19+$0x0], $0xffff  }
0x20d: {  	v10 =	vmax.f32 v10, $0.0e+00;
	[tilespmem:s30+$0xFFFFFF90] =	vst v19;
	v14 =	vcvt.f32.s32 v14;
	v8 =	vmin.f32 v8, $2.408999940e+02;
	v27 =	vld.idx.msk [tilespmem:v27+s19+$0x0], $0xffff  }
0x20e: {  	[tilespmem:s30+$0xFFFFFFD0] =	vst v6;
	v2 =	vtrunc.f32 v8;
	v8 =	vmin.f32 v10, $2.408999940e+02;
	v10 =	vmul.f32 v30, v1;
	v11 =	vld [tilespmem:s2+$0xFFFFFFB0]  }
0x20f: {  	[tilespmem:s30+$0x0] =	vst v62;
	v6 =	vmax.f32 v9, $0.0e+00;
	v17 =	vtrunc.f32 v8;
	v19 =	vmul.f32 v24, v1;
	v8 =	vld.idx.msk [tilespmem:v3+s19+$0x0], $0xffff  }
0x210: {  	[tilespmem:s30+$0x60] =	vst v32;
	v6 =	vmin.f32 v6, $2.408999940e+02;
	v24 =	vmul.f32 v20, v1;
	v3 =	vcvt.f32.s32 v13;
	v13 =	vld.idx.msk [tilespmem:v31+s19+$0x0], $0xffff  }
0x211: {  	s29 =	sadd.s32 s28, s8;
	s31 =	simm.s32 $0x13100;
	[tilespmem:s30+$0x20] =	vst v23;
	v23 =	vmul.f32 v26, v1;
	v9 =	vadd.f32 $5.000000000e-01, v18;
	v6 =	vtrunc.f32 v6;
	v15 =	vld.idx.msk [tilespmem:v15+s19+$0x0], $0xffff  }
0x212: {  	s0 =	simm.s32 $0x100;
	s3 =	simm.s32 $0x13100;
	v18 =	vcvt.f32.s32 v63;
	v20 =	vld [tilespmem:s2+$0xFFFFFFC0];
	v6 =	vcvt.f32.s32 v6;
	s2 =	simm.s32 $0x6E00;
	[tilespmem:s30+$0xFFFFFFF0] =	vst v27;
	v24 =	vadd.f32 $5.000000000e-01, v24  }
.LBB2_5:
0x213: {  	s0 =	sadd.s32 $0x100, s0;
	v23 =	vadd.f32 $5.000000000e-01, v23;
	v7 =	vmul.f32 v7, v1;
	s3 =	sadd.s32 $0x100, s3;
	v17 =	vcvt.f32.s32 v17;
	v14 =	vld.idx.msk [tilespmem:v14+s19+$0x0], $0xffff  }
0x214: {  	v22 =	vadd.f32 $5.000000000e-01, v22;
	v25 =	vmin.f32 v25, $2.408999940e+02;
	v26 =	vld [tilespmem:s2+$0xFFFFFF90];
	p0 =	slt.u32 s0, $0x6100;
	v21 =	vmul.f32 v21, v1;
	[tilespmem:s30+$0xFFFFFFA0] =	vst v12  }
0x215: {  	v12 =	vld.idx.msk [tilespmem:v5+s19+$0x0], $0xffff;
	v5 =	vmul.f32 v11, v1;
	v11 =	vmax.f32 v23, $0.0e+00;
	v7 =	vadd.f32 $5.000000000e-01, v7;
	[tilespmem:s30+$0x70] =	vst v13  }
0x216: {  	v13 =	vadd.f32 $5.000000000e-01, v19;
	v19 =	vmax.f32 v24, $0.0e+00;
	[tilespmem:s31+$0x50] =	vst v15;
	v15 =	vadd.f32 $5.000000000e-01, v21;
	v4 =	vld.idx.msk [tilespmem:v4+s19+$0x0], $0xffff  }
0x217: {  	v19 =	vmin.f32 v19, $2.408999940e+02;
	v11 =	vmin.f32 v11, $2.408999940e+02;
	v21 =	vld [tilespmem:s2+$0x10];
	v5 =	vadd.f32 $5.000000000e-01, v5;
	[tilespmem:s30+$0x40] =	vst v16  }
0x218: {  	v10 =	vadd.f32 $5.000000000e-01, v10;
	v16 =	vmax.f32 v22, $0.0e+00;
	v22 =	vtrunc.f32 v25;
	v18 =	vld.idx.msk [tilespmem:v18+s19+$0x0], $0xffff  }
0x219: {  	v20 =	vmul.f32 v20, v1;
	v16 =	vmin.f32 v16, $2.408999940e+02;
	v22 =	vcvt.f32.s32 v22;
	v17 =	vld.idx.msk [tilespmem:v17+s19+$0x0], $0xffff;
	[tilespmem:s30+$0xFFFFFFC0] =	vst v14  }
0x21a: {  	v15 =	vmax.f32 v15, $0.0e+00;
	v14 =	vtrunc.f32 v19;
	v16 =	vtrunc.f32 v16;
	v24 =	vld [tilespmem:s2+$0xFFFFFFD0]  }
0x21b: {  	v13 =	vmax.f32 v13, $0.0e+00;
	v20 =	vadd.f32 $5.000000000e-01, v20;
	v16 =	vcvt.f32.s32 v16;
	v19 =	vld [tilespmem:s2+$0x20]  }
0x21c: {  	v7 =	vmax.f32 v7, $0.0e+00;
	v5 =	vmax.f32 v5, $0.0e+00;
	v14 =	vcvt.f32.s32 v14;
	v23 =	vld [tilespmem:s2+$0x50];
	[tilespmem:s30+$0x10] =	vst v4  }
0x21d: {  	v10 =	vmax.f32 v10, $0.0e+00;
	v11 =	vtrunc.f32 v11;
	v13 =	vmin.f32 v13, $2.408999940e+02;
	v4 =	vld [tilespmem:s2+$0x60];
	[tilespmem:s30+$0xFFFFFFE0] =	vst v8  }
0x21e: {  	v7 =	vmin.f32 v7, $2.408999940e+02;
	v13 =	vtrunc.f32 v13;
	v8 =	vmul.f32 v21, v1;
	v25 =	vld [tilespmem:s2+$0xFFFFFF80];
	[tilespmem:s30+$0xFFFFFFB0] =	vst v18  }
0x21f: {  	v9 =	vmax.f32 v9, $0.0e+00;
	v10 =	vmin.f32 v10, $2.408999940e+02;
	v7 =	vtrunc.f32 v7;
	v18 =	vld [tilespmem:s2+$0xFFFFFFE0];
	[tilespmem:s30+$0xFFFFFF80] =	vst v17;
	s30 =	smov.u32 s31;
	s31 =	smov.u32 s3  }
0x220: {  	v10 =	vtrunc.f32 v10;
	v17 =	vmul.f32 v26, v1;
	v8 =	vadd.f32 $5.000000000e-01, v8;
	v21 =	vld [tilespmem:s2+$0x0]  }
0x221: {  	v15 =	vmin.f32 v15, $2.408999940e+02;
	v20 =	vmax.f32 v20, $0.0e+00;
	v26 =	vcvt.f32.s32 v7;
	v22 =	vld.idx.msk [tilespmem:v22+s19+$0x0], $0xffff  }
0x222: {  	v28 =	vcvt.f32.s32 v10;
	v17 =	vadd.f32 $5.000000000e-01, v17;
	v7 =	vld [tilespmem:s2+$0xFFFFFFF0];
	v27 =	vmul.f32 v4, v1  }
0x223: {  	v8 =	vmax.f32 v8, $0.0e+00;
	v23 =	vmul.f32 v23, v1;
	v4 =	vcvt.f32.s32 v2;
	v10 =	vld [tilespmem:s2+$0x40]  }
0x224: {  	v13 =	vcvt.f32.s32 v13;
	v2 =	vmax.f32 v17, $0.0e+00;
	v17 =	vadd.f32 $5.000000000e-01, v27;
	v16 =	vld.idx.msk [tilespmem:v16+s19+$0x0], $0xffff  }
0x225: {  	v15 =	vtrunc.f32 v15;
	v23 =	vadd.f32 $5.000000000e-01, v23;
	v2 =	vmin.f32 v2, $2.408999940e+02;
	v14 =	vld.idx.msk [tilespmem:v14+s19+$0x0], $0xffff  }
0x226: {  	v20 =	vmin.f32 v20, $2.408999940e+02;
	v27 =	vmin.f32 v5, $2.408999940e+02;
	v2 =	vtrunc.f32 v2;
	v6 =	vld.idx.msk [tilespmem:v6+s19+$0x0], $0xffff  }
0x227: {  	v5 =	vcvt.f32.s32 v2;
	v2 =	vmax.f32 v23, $0.0e+00;
	v23 =	vcvt.f32.s32 v11;
	v29 =	vld [tilespmem:s2+$0x30];
	[tilespmem:s30+$0xFFFFFF90] =	vst v12  }
0x228: {  	v15 =	vcvt.f32.s32 v15;
	v21 =	vmul.f32 v21, v1;
	v2 =	vmin.f32 v2, $2.408999940e+02;
	v30 =	vld [tilespmem:s2+$0xFFFFFFA0];
	[tilespmem:s30+$0x30] =	vst v22  }
0x229: {  	v20 =	vtrunc.f32 v20;
	v8 =	vmin.f32 v8, $2.408999940e+02;
	v11 =	vtrunc.f32 v2;
	v31 =	vld.idx.msk [tilespmem:v3+s19+$0x0], $0xffff  }
0x22a: {  	v2 =	vtrunc.f32 v8;
	v32 =	vcvt.f32.s32 v11;
	v3 =	vmin.f32 v9, $2.408999940e+02;
	v26 =	vld.idx.msk [tilespmem:v26+s19+$0x0], $0xffff;
	[tilespmem:s30+$0x20] =	vst v16  }
0x22b: {  	v27 =	vtrunc.f32 v27;
	v10 =	vmul.f32 v10, v1;
	v8 =	vmax.f32 v17, $0.0e+00;
	v11 =	vld [tilespmem:s2+$0xFFFFFFB0];
	[tilespmem:s30+$0xFFFFFFD0] =	vst v14  }
0x22c: {  	v8 =	vmin.f32 v8, $2.408999940e+02;
	v17 =	vtrunc.f32 v3;
	v9 =	vmul.f32 v29, v1;
	v12 =	vld.idx.msk [tilespmem:v13+s19+$0x0], $0xffff;
	[tilespmem:s30+$0x0] =	vst v6  }
0x22d: {  	v3 =	vtrunc.f32 v8;
	v14 =	vcvt.f32.s32 v20;
	v6 =	vadd.f32 $5.000000000e-01, v21;
	v8 =	vld.idx.msk [tilespmem:v23+s19+$0x0], $0xffff  }
.Ltmp3:
0x22e: {  	v16 =	vmul.f32 v25, v1;
	v3 =	vcvt.f32.s32 v3;
	v20 =	vadd.f32 $5.000000000e-01, v9;
	v13 =	vld.idx.msk [tilespmem:v15+s19+$0x0], $0xffff;
	(pc) =	sbr.rel @p0 .LBB2_5-.Ltmp3, $4  }
0x22f: {  	v22 =	vmul.f32 v19, v1;
	v23 =	vmul.f32 v18, v1;
	v6 =	vmax.f32 v6, $0.0e+00;
	v21 =	vld [tilespmem:s2+$0x70];
	[tilespmem:s30+$0x60] =	vst v31  }
0x230: {  	v19 =	vmul.f32 v30, v1;
	v18 =	vmul.f32 v24, v1;
	v6 =	vmin.f32 v6, $2.408999940e+02;
	v15 =	vld.idx.msk [tilespmem:v32+s19+$0x0], $0xffff  }
0x231: {  	v9 =	vadd.f32 $5.000000000e-01, v16;
	v6 =	vtrunc.f32 v6;
	v25 =	vmax.f32 v20, $0.0e+00;
	[tilespmem:s30+$0xFFFFFFF0] =	vst v26;
	v16 =	vld.idx.msk [tilespmem:v28+s19+$0x0], $0xffff  }
0x232: {  	v24 =	vadd.f32 $5.000000000e-01, v18;
	v18 =	vcvt.f32.s32 v27;
	v6 =	vcvt.f32.s32 v6;
	v20 =	vld [tilespmem:s2+$0xFFFFFFC0];
	s2 =	sadd.s32 $0x100, s2  }
0x233: {  	v23 =	vadd.f32 $5.000000000e-01, v23;
	v7 =	vmul.f32 v7, v1;
	v17 =	vcvt.f32.s32 v17  }
0x234: {  	v22 =	vadd.f32 $5.000000000e-01, v22;
	v25 =	vmin.f32 v25, $2.408999940e+02;
	v11 =	vmul.f32 v11, v1  }
0x235: {  	v19 =	vadd.f32 $5.000000000e-01, v19;
	v10 =	vadd.f32 $5.000000000e-01, v10;
	v9 =	vmax.f32 v9, $0.0e+00  }
0x236: {  	v2 =	vcvt.f32.s32 v2;
	v21 =	vmul.f32 v21, v1;
	v24 =	vmax.f32 v24, $0.0e+00  }
0x237: {  	v25 =	vtrunc.f32 v25;
	v9 =	vmin.f32 v9, $2.408999940e+02;
	v23 =	vmax.f32 v23, $0.0e+00  }
0x238: {  	v7 =	vadd.f32 $5.000000000e-01, v7;
	v11 =	vadd.f32 $5.000000000e-01, v11;
	v24 =	vmin.f32 v24, $2.408999940e+02  }
0x239: {  	v22 =	vmax.f32 v22, $0.0e+00;
	v25 =	vcvt.f32.s32 v25;
	v46 =	vmax.f32 v19, $0.0e+00  }
0x23a: {  	v14 =	vld.idx.msk [tilespmem:v14+s19+$0x0], $0xffff;
	[tilespmem:s30+$0xFFFFFFA0] =	vst v12;
	v10 =	vmax.f32 v10, $0.0e+00;
	v9 =	vtrunc.f32 v9;
	v21 =	vadd.f32 $5.000000000e-01, v21  }
0x23b: {  	v4 =	vld.idx.msk [tilespmem:v4+s19+$0x0], $0xffff;
	[tilespmem:s30+$0x70] =	vst v13;
	v22 =	vmin.f32 v22, $2.408999940e+02;
	v45 =	vtrunc.f32 v24;
	v13 =	vmin.f32 v46, $2.408999940e+02  }
0x23c: {  	v5 =	vld.idx.msk [tilespmem:v5+s19+$0x0], $0xffff;
	[tilespmem:s30+$0xFFFFFFE0] =	vst v8;
	v10 =	vmin.f32 v10, $2.408999940e+02;
	v9 =	vcvt.f32.s32 v9;
	v20 =	vmul.f32 v20, v1  }
0x23d: {  	v3 =	vld.idx.msk [tilespmem:v3+s19+$0x0], $0xffff;
	[tilespmem:s31+$0x50] =	vst v15;
	v55 =	vmin.f32 v23, $2.408999940e+02;
	v22 =	vtrunc.f32 v22;
	v12 =	vcvt.f32.s32 v45  }
0x23e: {  	v47 =	vld.idx.msk [tilespmem:v18+s19+$0x0], $0xffff;
	[tilespmem:s30+$0x40] =	vst v16;
	v7 =	vmax.f32 v7, $0.0e+00;
	v13 =	vtrunc.f32 v13;
	v53 =	vtrunc.f32 v10  }
0x23f: {  	v6 =	vld.idx.msk [tilespmem:v6+s19+$0x0], $0xffff;
	v11 =	vmax.f32 v11, $0.0e+00;
	v56 =	vtrunc.f32 v55;
	v22 =	vcvt.f32.s32 v22;
	[tilespmem:s30+$0xFFFFFFC0] =	vst v14  }
0x240: {  	v21 =	vmax.f32 v21, $0.0e+00;
	v7 =	vmin.f32 v7, $2.408999940e+02;
	[tilespmem:s30+$0x10] =	vst v4;
	v13 =	vcvt.f32.s32 v13;
	v49 =	vld.idx.msk [tilespmem:v17+s19+$0x0], $0xffff  }
0x241: {  	v8 =	vcvt.f32.s32 v53;
	v11 =	vmin.f32 v11, $2.408999940e+02;
	[tilespmem:s31+$0xFFFFFF90] =	vst v5;
	v48 =	vadd.f32 $5.000000000e-01, v20;
	v2 =	vld.idx.msk [tilespmem:v2+s19+$0x0], $0xffff  }
0x242: {  	v57 =	vcvt.f32.s32 v56;
	[tilespmem:s31+$0x60] =	vst v3;
	v7 =	vtrunc.f32 v7;
	v50 =	vmin.f32 v21, $2.408999940e+02;
	v52 =	vld.idx.msk [tilespmem:v25+s19+$0x0], $0xffff  }
0x243: {  	[tilespmem:s30+$0xFFFFFFB0] =	vst v47;
	v11 =	vtrunc.f32 v11;
	v7 =	vcvt.f32.s32 v7;
	v51 =	vmax.f32 v48, $0.0e+00;
	v63 =	vld.idx.msk [tilespmem:v9+s19+$0x0], $0xffff  }
0x244: {  	[tilespmem:s31+$0x0] =	vst v6;
	v14 =	vtrunc.f32 v50;
	v11 =	vcvt.f32.s32 v11;
	v4 =	vmin.f32 v51, $2.408999940e+02;
	v12 =	vld.idx.msk [tilespmem:v12+s19+$0x0], $0xffff  }
0x245: {  	v14 =	vcvt.f32.s32 v14;
	v4 =	vtrunc.f32 v4;
	v54 =	vld.idx.msk [tilespmem:v22+s19+$0x0], $0xffff;
	[tilespmem:s30+$0xFFFFFF80] =	vst v49  }
0x246: {  	v4 =	vcvt.f32.s32 v4;
	v58 =	vld.idx.msk [tilespmem:v13+s19+$0x0], $0xffff;
	[tilespmem:s31+$0x10] =	vst v2  }
0x247: {  	v60 =	vld.idx.msk [tilespmem:v8+s19+$0x0], $0xffff;
	[tilespmem:s31+$0x30] =	vst v52  }
0x248: {  	v61 =	vld.idx.msk [tilespmem:v57+s19+$0x0], $0xffff;
	[tilespmem:s31+$0xFFFFFF80] =	vst v63  }
0x249: {  	v7 =	vld.idx.msk [tilespmem:v7+s19+$0x0], $0xffff;
	[tilespmem:s31+$0xFFFFFFD0] =	vst v12  }
0x24a: {  	v62 =	vld.idx.msk [tilespmem:v11+s19+$0x0], $0xffff;
	[tilespmem:s31+$0x20] =	vst v54  }
0x24b: {  	v59 =	vld.idx.msk [tilespmem:v14+s19+$0x0], $0xffff;
	[tilespmem:s31+$0xFFFFFFA0] =	vst v58  }
0x24c: {  	[tilespmem:s31+$0x40] =	vst v60;
	v3 =	vld.idx.msk [tilespmem:v4+s19+$0x0], $0xffff  }
0x24d: {  	[tilespmem:s31+$0xFFFFFFE0] =	vst v61  }
.Ltmp4:
0x24e: {  	[tilespmem:s31+$0xFFFFFFF0] =	vst v7;
	(pc) =	sbr.rel @p1 .LBB2_8-.Ltmp4, $4  }
0x24f: {  	[tilespmem:s31+$0xFFFFFFB0] =	vst v62  }
0x250: {  	s0 =	sshrl.u32 s29, $0x3;
	[tilespmem:s31+$0x70] =	vst v59  }
0x251: {  	s0 =	sadd.s32 s4, s0;
	[tilespmem:s31+$0xFFFFFFC0] =	vst v3  }
0x252: {  	[hbm4b:s0+s5] =	stream.linear.scatter [tilespmem:s22], [sflag:$0x4], $0x6200, $0x38;
	[tilespmem:$0x19180] =	vst v63  }
.Ltmp5:
0x253: {  	(pc) =	sbr.rel .LBB2_2-.Ltmp5, $4  }
0x254: {  	s0 =	sadd.s32 s28, s12  }
0x255: {  	s0 =	sshrl.u32 s0, $0x3  }
0x256: {  	s26 =	sadd.s32 $0x1, s26;
	s0 =	sadd.s32 s1, s0  }
0x257: {  	[tilespmem:s17], [sflag:$0x2] =	stream.linear.gather [hbm4b:s0+s5], $0x6200, $0x38;
	[tilespmem:$0x19180] =	vst v63  }
.LBB2_9:
0x258: {  	_ =	sfence.sel $0x180000  }
0x259: {  	[bflag:$0x0] =	sbarrier.arrive $0xFFFF  }
0x25a: {  	_ =	strace $0x90000047  }
0x25b: {  	s0 =	stileid.u32;
	[bflag:$0x2] =	sbarrier.arrive $0xFFFF  }
0x25c: {  	p0 =	sne.s32 s0, $0x0;
	s0 =	rddreg [dreg:$0x4]  }
0x25d: {  	s0 =	sadd.s32 @!p0 $0x100000, s0  }
0x25e: {  	[sflag:s0] =	ssyncadd.tile.s32 @!p0 $0x1;
	_ =	shalt  }
.Lfunc_end2:
_tile_overlayer_lowered:
.L_overlay_start_2:
0x25f: {  	(tag) =	ssettag $0x2  }
0x260: {  	s0 =	rddreg [dreg:$0x0];
	s2 =	stileid.u32  }
0x261: {  	s1 =	rddreg [dreg:$0x1];
	p0 =	sne.s32 s2, $0x0  }
0x262: {  	s3 =	rddreg [dreg:$0x2];
	[bflag:$0x3] =	sbarrier.arrive $0xFFFF;
	s2 =	simm.s32 @!p0 $0x1C05  }
0x263: {  	[timem:s3], [sflag:s2] =	dma.local @!p0 [hbm:s0], s1  }
0x264: {  	s0 =	simm.s32 @!p0 $0x5  }
0x265: {  	_ =	swait.ge @!p0 [sflag:s0], s1  }
0x266: {  	s1 =	ssub.s32 @!p0 $0x0, s1;
	[sflag:s0] =	ssyncset.done @!p0 $0x0  }
0x267: {  	[sflag:s0] =	ssyncadd.s32 @!p0 s1  }
0x268: {  	[bflag:$0x3] =	sbarrier.arrive $0xFFFF  }
0x269: {  	_ =	shalt  }

</sc_bundles>
